<compile_context>
chip_gen: v7x
topology: tpu7x:2x2x1
jax: 0.10.2.dev20260603
libtpu: 0.0.44.dev20260713+nightly
codegen_flags: <defaults>
</compile_context>

<pallas_src>
import math

import jax
import jax.numpy as jnp
from jax import lax
from jax.experimental import pallas as pl
from jax.experimental.pallas import tpu as pltpu
from jax.experimental.pallas import tpu_sc as plsc

_K = 256
_T = 64
_S = 500
_A = 4
_D = 128

_NC = 2
_NS = 16
_NW = _NC * _NS
_PPW = _K // _NW


def _sample_body(g_ref, lw_ref, sc_ref, it0_ref, it1_ref, oh_ref, lc_ref,
                 hs_ref, lp_ref):
    x = g_ref[...] + lw_ref[...][None, :]
    m = jnp.max(x, axis=1, keepdims=True)
    ii = lax.broadcasted_iota(jnp.int32, x.shape, 1)
    cand = jnp.where(x >= m, ii, jnp.int32(x.shape[1]))
    idx = jnp.min(cand, axis=1)
    it0_ref[...] = idx * _T
    it1_ref[...] = idx * _T + 1
    eq = idx[:, None] == ii
    oh_ref[...] = eq.astype(jnp.bfloat16)
    t = sc_ref[...]

    def pick(row):
        return jnp.sum(jnp.where(eq, row[None, :], 0), axis=1)

    lc_ref[...] = pick(t[0]) + pick(t[1])
    hs_ref[...] = pick(t[2]) * jnp.int32(1000003) + pick(t[3])
    lp_ref[...] = lax.bitcast_convert_type(pick(t[4]), jnp.float32)


def _sample(gumbel_kk, log_weight_k, scalar_tbl):
    return pl.pallas_call(
        _sample_body,
        out_shape=(
            jax.ShapeDtypeStruct((_K,), jnp.int32),
            jax.ShapeDtypeStruct((_K,), jnp.int32),
            jax.ShapeDtypeStruct((_K, _K), jnp.bfloat16),
            jax.ShapeDtypeStruct((_K,), jnp.int32),
            jax.ShapeDtypeStruct((_K,), jnp.int32),
            jax.ShapeDtypeStruct((_K,), jnp.float32),
        ),
    )(gumbel_kk, log_weight_k, scalar_tbl)


def _sc_gather_body(
    it0_hbm, it1_hbm, emb_hbm,
    emb_out,
    it0_v, it1_v, e0_v, e1_v, es_v,
    sem0,
):
    w = lax.axis_index("s") * _NC + lax.axis_index("c")
    base = w * _PPW

    pltpu.sync_copy(it0_hbm.at[pl.ds(base, _PPW)], it0_v)
    pltpu.sync_copy(it1_hbm.at[pl.ds(base, _PPW)], it1_v)
    ce0 = pltpu.async_copy(emb_hbm.at[it0_v], e0_v, sem0)
    ce1 = pltpu.async_copy(emb_hbm.at[it1_v], e1_v, sem0)
    ce0.wait()
    ce1.wait()
    for p in range(_PPW):
        for jc in range(_D // 16):
            sl = pl.ds(jc * 16, 16)
            es_v[p, sl] = (e0_v[p, sl] + e1_v[p, sl]) * 0.5
    pltpu.sync_copy(es_v, emb_out.at[pl.ds(base, _PPW)])


def _sc_gather(it0, it1, emb01):
    mesh = plsc.VectorSubcoreMesh(
        core_axis_name="c", subcore_axis_name="s", num_cores=_NC,
        num_subcores=_NS)
    f = pl.kernel(
        _sc_gather_body,
        out_type=jax.ShapeDtypeStruct((_K, _D), jnp.float32),
        mesh=mesh,
        scratch_types=[
            pltpu.VMEM((_PPW,), jnp.int32),
            pltpu.VMEM((_PPW,), jnp.int32),
            pltpu.VMEM((_PPW, _D), jnp.float32),
            pltpu.VMEM((_PPW, _D), jnp.float32),
            pltpu.VMEM((_PPW, _D), jnp.float32),
            pltpu.SemaphoreType.DMA,
        ],
    )
    return f(it0, it1, emb01)


_DN_LFN = (((2,), (1,)), ((), ()))
_DN_LL = (((1,), (1,)), ((), ()))


def _permute_exact(x, ohb, dn):
    h1 = x.astype(jnp.bfloat16)
    r1 = x - h1.astype(jnp.float32)
    h2 = r1.astype(jnp.bfloat16)
    h3 = (r1 - h2.astype(jnp.float32)).astype(jnp.bfloat16)

    def _d(h):
        return lax.dot_general(h, ohb, dn,
                               preferred_element_type=jnp.float32)

    return _d(h1) + _d(h2) + _d(h3)
_GS = 2
_BS = _S // _GS


def _merge_body(l0_ref, l1_ref, oh_ref, lp_ref, lfn_ref, lw_ref):
    i = pl.program_id(0)
    eb = jnp.exp(jnp.float32(-0.1))
    move = (1.0 - eb) / _A
    e1 = jnp.exp(l0_ref[0])
    e2 = jnp.exp(l1_ref[0])
    q1 = move * jnp.sum(e1, axis=1, keepdims=True) + eb * e1
    q2 = move * jnp.sum(e2, axis=1, keepdims=True) + eb * e2
    u = q1 * q2
    ohb = oh_ref[...]
    lfn_ref[...] = _permute_exact(jnp.log(u), ohb, _DN_LFN)
    part = jnp.sum(jnp.log(jnp.sum(u, axis=1)), axis=0)

    @pl.when(i == 0)
    def _init():
        lw_ref[...] = part

    @pl.when(jnp.logical_and(i > 0, i < _GS - 1))
    def _acc():
        lw_ref[...] = lw_ref[...] + part

    @pl.when(i == _GS - 1)
    def _fin():
        ll_j = lw_ref[...] + part - _S * math.log(_A)
        ll = _permute_exact(ll_j[None, :], ohb, _DN_LL)[0]
        lw_ref[...] = ll - lp_ref[...]


def _merge(lf_t, ohf, lp_g):
    return pl.pallas_call(
        _merge_body,
        grid=(_GS,),
        in_specs=[
            pl.BlockSpec((1, _BS, _A, _K), lambda i: (0, i, 0, 0)),
            pl.BlockSpec((1, _BS, _A, _K), lambda i: (1, i, 0, 0)),
            pl.BlockSpec((_K, _K), lambda i: (0, 0)),
            pl.BlockSpec((_K,), lambda i: (0,)),
        ],
        out_specs=(
            pl.BlockSpec((_BS, _A, _K), lambda i: (i, 0, 0)),
            pl.BlockSpec((_K,), lambda i: (0,)),
        ),
        out_shape=(
            jax.ShapeDtypeStruct((_S, _A, _K), jnp.float32),
            jax.ShapeDtypeStruct((_K,), jnp.float32),
        ),
    )(lf_t, lf_t, ohf, lp_g)


def kernel(log_weight_K, log_pi_K, log_felsensteins_KxtxSxA, embeddings_KxtxD,
           leaf_counts_Kxt, hashes_Kxt):
    gumbel = jax.random.gumbel(jax.random.key(1), (_K, _K), jnp.float32)

    scalar_tbl = jnp.stack(
        [leaf_counts_Kxt[:, 0], leaf_counts_Kxt[:, 1],
         hashes_Kxt[:, 0], hashes_Kxt[:, 1],
         lax.bitcast_convert_type(log_pi_K, jnp.int32)], axis=0)
    emb_flat = embeddings_KxtxD.reshape(_K * _T, _D)

    it0, it1, ohf, lc_new, hs_new, lp_g = _sample(
        gumbel, log_weight_K, scalar_tbl)
    emb_new = _sc_gather(it0, it1, emb_flat)

    lf_t = jnp.transpose(log_felsensteins_KxtxSxA, (1, 2, 3, 0))
    lfn_t, lw_new = _merge(lf_t, ohf, lp_g)
    lf_new = jnp.transpose(lfn_t, (2, 0, 1))
    return (lw_new, lf_new, emb_new, lc_new, hs_new)

# --- scband reference (transcript-rebuilt; emitter-appended) ---
"""Pipeline reference for scband-vcsmc-69844758167651 (READ-ONLY COPY).

The authoritative reference and input builder live on the scoring server;
editing this copy changes nothing except your own understanding.
"""

import jax, jax.numpy as jnp
import numpy as np
from jax.scipy.special import logsumexp

K = 256
T = 64
S = 500
A = 4
D = 128


def _trans_logP(branch_len):
    # Jukes-Cantor style transition matrix: P = e^{-b} I + (1 - e^{-b})/A * 11^T (plus diagonal share)
    stay = jnp.exp(-branch_len) + (1.0 - jnp.exp(-branch_len)) / A
    move = (1.0 - jnp.exp(-branch_len)) / A
    P = move * jnp.ones((A, A), dtype=jnp.float32) + (stay - move) * jnp.eye(A, dtype=jnp.float32)
    return jnp.log(P)


def setup_inputs(seed: int = 0) -> dict:
    key = jax.random.key(seed)
    k1, k2, k3, k4, k5, k6 = jax.random.split(key, 6)
    return {
        "log_weight_K": jax.random.normal(k1, (K,), dtype=jnp.float32),
        "log_pi_K": jax.random.normal(k2, (K,), dtype=jnp.float32),
        "log_felsensteins_KxtxSxA": jax.random.normal(k3, (K, T, S, A), dtype=jnp.float32),
        "embeddings_KxtxD": jax.random.normal(k4, (K, T, D), dtype=jnp.float32),
        "leaf_counts_Kxt": jax.random.randint(k5, (K, T), 1, 64, dtype=jnp.int32),
        "hashes_Kxt": jax.random.randint(k6, (K, T), 0, 1000000, dtype=jnp.int32),
    }


def reference(log_weight_K, log_pi_K, log_felsensteins_KxtxSxA, embeddings_KxtxD, leaf_counts_Kxt, hashes_Kxt):
    Kn = log_weight_K.shape[0]
    # --- multinomial resampling step (Categorical(logits=log_weight_K).sample([K])) ---
    idx_K = jax.random.categorical(jax.random.key(1), log_weight_K, shape=(Kn,))
    log_pi = log_pi_K[idx_K]
    lf = log_felsensteins_KxtxSxA[idx_K]
    emb = embeddings_KxtxD[idx_K]
    lc = leaf_counts_Kxt[idx_K]
    hs = hashes_Kxt[idx_K]
    # --- merge step on subtrees 0 and 1 (deterministic proposal for reference) ---
    branch1 = jnp.float32(0.1)
    branch2 = jnp.float32(0.1)
    logP1 = _trans_logP(branch1)
    logP2 = _trans_logP(branch2)
    lf1 = lf[:, 0]  # [K, S, A]
    lf2 = lf[:, 1]  # [K, S, A]
    # Felsenstein pruning in log space: logsumexp over child states through transition matrix
    m1 = logsumexp(lf1[:, :, None, :] + logP1[None, None, :, :], axis=-1)  # [K, S, A]
    m2 = logsumexp(lf2[:, :, None, :] + logP2[None, None, :, :], axis=-1)  # [K, S, A]
    lf_new_KxSxA = m1 + m2
    # per-particle log likelihood with uniform stationary distribution (1/A)
    ll_K = jnp.sum(logsumexp(lf_new_KxSxA + jnp.log(1.0 / A), axis=-1), axis=-1)  # [K]
    log_weight_new_K = ll_K - log_pi
    emb_new_KxD = 0.5 * (emb[:, 0] + emb[:, 1])
    leaf_count_new_K = lc[:, 0] + lc[:, 1]
    hash_new_K = hs[:, 0] * jnp.int32(1000003) + hs[:, 1]
    return (log_weight_new_K, lf_new_KxSxA, emb_new_KxD, leaf_count_new_K, hash_new_K)

if __name__ == "__main__":
    import jax
    _d = setup_inputs()
    print(jax.jit(kernel)(*tuple(_d.values())))

</pallas_src>

<mosaic_0001>
#map = affine_map<(d0, d1) -> (0)>
#map1 = affine_map<(d0, d1) -> (0, 0)>
module attributes {stable_mosaic.version = 14 : i64} {
  func.func @_sc_gather_body(%arg0: i32, %arg1: i32, %arg2: memref<256xi32, #tpu.memory_space<hbm>>, %arg3: memref<256xi32, #tpu.memory_space<hbm>>, %arg4: memref<16384x128xf32, #tpu.memory_space<hbm>>, %arg5: memref<256x128xf32, #tpu.memory_space<hbm>>, %arg6: memref<8xi32, #tpu.memory_space<vmem>>, %arg7: memref<8xi32, #tpu.memory_space<vmem>>, %arg8: memref<8x128xf32, #tpu.memory_space<vmem>>, %arg9: memref<8x128xf32, #tpu.memory_space<vmem>>, %arg10: memref<8x128xf32, #tpu.memory_space<vmem>>, %arg11: memref<!tpu.dma_semaphore, #tpu.memory_space<semaphore_mem>>) attributes {dimension_semantics = [#tpu.dimension_semantics<core_parallel>, #tpu.dimension_semantics<subcore_parallel>], iteration_bounds = array<i64: 2, 16>, scalar_prefetch = 0 : i64, scratch_operands = 6 : i64, tpu.core_type = #tpu.core_type<sc_vector_subcore>, window_params = [{transform_indices = #map}, {transform_indices = #map}, {transform_indices = #map1}, {transform_indices = #map1}]} {
    %mul3A = arith.constant 2 : i32
    %mul3A_0 = arith.muli %arg1, %mul3A : i32
    %add3A = arith.addi %mul3A_0, %arg0 : i32
    %mul3A_1 = arith.constant 8 : i32
    %mul3A_2 = arith.muli %add3A, %mul3A_1 : i32
    "tpu.region"() ({
      %run_scoped3A = tpu.sem_alloc : memref<!tpu.dma_semaphore, #tpu.memory_space<semaphore_mem>>
      %dma_start3A_1291 = tpu.memref_slice %arg2[%mul3A_2] : memref<256xi32, #tpu.memory_space<hbm>> -> memref<8xi32, #tpu.memory_space<hbm>>
      %dma_start3A_1292 = tpu.memref_slice %arg2[%mul3A_2] : memref<256xi32, #tpu.memory_space<hbm>> -> memref<8xi32, #tpu.memory_space<hbm>>
      tpu.enqueue_dma source(%dma_start3A_1292 : memref<8xi32, #tpu.memory_space<hbm>>) target(%arg6 : memref<8xi32, #tpu.memory_space<vmem>>) target_semaphore(%run_scoped3A : memref<!tpu.dma_semaphore, #tpu.memory_space<semaphore_mem>>)
      %dma_wait3A_1293 = tpu.memref_slice %arg2[%mul3A_2] : memref<256xi32, #tpu.memory_space<hbm>> -> memref<8xi32, #tpu.memory_space<hbm>>
      %dma_wait3A_1294 = tpu.memref_slice %arg2[%mul3A_2] : memref<256xi32, #tpu.memory_space<hbm>> -> memref<8xi32, #tpu.memory_space<hbm>>
      tpu.wait_dma2 semaphore(%run_scoped3A : memref<!tpu.dma_semaphore, #tpu.memory_space<semaphore_mem>>) src(%dma_wait3A_1294 : memref<8xi32, #tpu.memory_space<hbm>>) dst(%arg6 : memref<8xi32, #tpu.memory_space<vmem>>)
      tpu.yield
    }) : () -> ()
    "tpu.region"() ({
      %run_scoped3A = tpu.sem_alloc : memref<!tpu.dma_semaphore, #tpu.memory_space<semaphore_mem>>
      %dma_start3A_1291 = tpu.memref_slice %arg3[%mul3A_2] : memref<256xi32, #tpu.memory_space<hbm>> -> memref<8xi32, #tpu.memory_space<hbm>>
      %dma_start3A_1292 = tpu.memref_slice %arg3[%mul3A_2] : memref<256xi32, #tpu.memory_space<hbm>> -> memref<8xi32, #tpu.memory_space<hbm>>
      tpu.enqueue_dma source(%dma_start3A_1292 : memref<8xi32, #tpu.memory_space<hbm>>) target(%arg7 : memref<8xi32, #tpu.memory_space<vmem>>) target_semaphore(%run_scoped3A : memref<!tpu.dma_semaphore, #tpu.memory_space<semaphore_mem>>)
      %dma_wait3A_1293 = tpu.memref_slice %arg3[%mul3A_2] : memref<256xi32, #tpu.memory_space<hbm>> -> memref<8xi32, #tpu.memory_space<hbm>>
      %dma_wait3A_1294 = tpu.memref_slice %arg3[%mul3A_2] : memref<256xi32, #tpu.memory_space<hbm>> -> memref<8xi32, #tpu.memory_space<hbm>>
      tpu.wait_dma2 semaphore(%run_scoped3A : memref<!tpu.dma_semaphore, #tpu.memory_space<semaphore_mem>>) src(%dma_wait3A_1294 : memref<8xi32, #tpu.memory_space<hbm>>) dst(%arg7 : memref<8xi32, #tpu.memory_space<vmem>>)
      tpu.yield
    }) : () -> ()
    %dma_start3A = arith.constant 0 : i32
    %dma_start3A_3 = arith.constant 0 : i32
    %dma_start3A_4 = tpu.memref_slice %arg4[%dma_start3A, %dma_start3A_3] : memref<16384x128xf32, #tpu.memory_space<hbm>> -> memref<16384x128xf32, #tpu.memory_space<hbm>>
    tpu.enqueue_indirect_dma source(%dma_start3A_4 : memref<16384x128xf32, #tpu.memory_space<hbm>>) target(%arg8 : memref<8x128xf32, #tpu.memory_space<vmem>>) offsets(%arg6 : memref<8xi32, #tpu.memory_space<vmem>>) semaphore(%arg11 : memref<!tpu.dma_semaphore, #tpu.memory_space<semaphore_mem>>)
    %dma_start3A_5 = arith.constant 0 : i32
    %dma_start3A_6 = arith.constant 0 : i32
    %dma_start3A_7 = tpu.memref_slice %arg4[%dma_start3A_5, %dma_start3A_6] : memref<16384x128xf32, #tpu.memory_space<hbm>> -> memref<16384x128xf32, #tpu.memory_space<hbm>>
    tpu.enqueue_indirect_dma source(%dma_start3A_7 : memref<16384x128xf32, #tpu.memory_space<hbm>>) target(%arg9 : memref<8x128xf32, #tpu.memory_space<vmem>>) offsets(%arg7 : memref<8xi32, #tpu.memory_space<vmem>>) semaphore(%arg11 : memref<!tpu.dma_semaphore, #tpu.memory_space<semaphore_mem>>)
    %dma_wait3A = arith.constant 0 : i32
    %dma_wait3A_8 = arith.constant 0 : i32
    %dma_wait3A_9 = tpu.memref_slice %arg4[%dma_wait3A, %dma_wait3A_8] : memref<16384x128xf32, #tpu.memory_space<hbm>> -> memref<16384x128xf32, #tpu.memory_space<hbm>>
    tpu.wait_indirect_dma semaphore(%arg11 : memref<!tpu.dma_semaphore, #tpu.memory_space<semaphore_mem>>) src(%dma_wait3A_9 : memref<16384x128xf32, #tpu.memory_space<hbm>>) dst(%arg8 : memref<8x128xf32, #tpu.memory_space<vmem>>)
    %dma_wait3A_10 = arith.constant 0 : i32
    %dma_wait3A_11 = arith.constant 0 : i32
    %dma_wait3A_12 = tpu.memref_slice %arg4[%dma_wait3A_10, %dma_wait3A_11] : memref<16384x128xf32, #tpu.memory_space<hbm>> -> memref<16384x128xf32, #tpu.memory_space<hbm>>
    tpu.wait_indirect_dma semaphore(%arg11 : memref<!tpu.dma_semaphore, #tpu.memory_space<semaphore_mem>>) src(%dma_wait3A_12 : memref<16384x128xf32, #tpu.memory_space<hbm>>) dst(%arg9 : memref<8x128xf32, #tpu.memory_space<vmem>>)
    %get3A = arith.constant 0 : i32
    %get3A_13 = arith.index_cast %get3A : i32 to index
    %get3A_14 = arith.constant 0 : index
    %get3A_15 = tpu.vector_load %arg8[%get3A_13, %get3A_14] {strides = array<i32>} : memref<8x128xf32, #tpu.memory_space<vmem>>, vector<1x16xf32>,
    %get3A_16 = vector.shape_cast %get3A_15 : vector<1x16xf32> to vector<16xf32>
    %get3A_17 = arith.constant 0 : i32
    %get3A_18 = arith.index_cast %get3A_17 : i32 to index
    %get3A_19 = arith.constant 0 : index
    %get3A_20 = tpu.vector_load %arg9[%get3A_18, %get3A_19] {strides = array<i32>} : memref<8x128xf32, #tpu.memory_space<vmem>>, vector<1x16xf32>,
    %get3A_21 = vector.shape_cast %get3A_20 : vector<1x16xf32> to vector<16xf32>
    %add3A_22 = arith.addf %get3A_16, %get3A_21 : vector<16xf32>
    %mul3A_23 = arith.constant 5.000000e-01 : f32
    %mul3A_24 = vector.broadcast %mul3A_23 : f32 to vector<16xf32>
    %mul3A_25 = arith.mulf %add3A_22, %mul3A_24 : vector<16xf32>
    %swap3A = arith.constant 0 : i32
    %swap3A_26 = arith.index_cast %swap3A : i32 to index
    %swap3A_27 = arith.constant 0 : index
    %swap3A_28 = tpu.vector_load %arg10[%swap3A_26, %swap3A_27] {strides = array<i32>} : memref<8x128xf32, #tpu.memory_space<vmem>>, vector<1x16xf32>,
    %swap3A_29 = vector.shape_cast %swap3A_28 : vector<1x16xf32> to vector<16xf32>
    %swap3A_30 = vector.shape_cast %mul3A_25 : vector<16xf32> to vector<1x16xf32>
    tpu.vector_store %arg10[%swap3A_26, %swap3A_27], %swap3A_30 {strides = array<i32>} : memref<8x128xf32, #tpu.memory_space<vmem>>, vector<1x16xf32>,
    %get3A_31 = arith.constant 0 : i32
    %get3A_32 = arith.index_cast %get3A_31 : i32 to index
    %get3A_33 = arith.constant 16 : index
    %get3A_34 = tpu.vector_load %arg8[%get3A_32, %get3A_33] {strides = array<i32>} : memref<8x128xf32, #tpu.memory_space<vmem>>, vector<1x16xf32>,
    %get3A_35 = vector.shape_cast %get3A_34 : vector<1x16xf32> to vector<16xf32>
    %get3A_36 = arith.constant 0 : i32
    %get3A_37 = arith.index_cast %get3A_36 : i32 to index
    %get3A_38 = arith.constant 16 : index
    %get3A_39 = tpu.vector_load %arg9[%get3A_37, %get3A_38] {strides = array<i32>} : memref<8x128xf32, #tpu.memory_space<vmem>>, vector<1x16xf32>,
    %get3A_40 = vector.shape_cast %get3A_39 : vector<1x16xf32> to vector<16xf32>
    %add3A_41 = arith.addf %get3A_35, %get3A_40 : vector<16xf32>
    %mul3A_42 = arith.constant 5.000000e-01 : f32
    %mul3A_43 = vector.broadcast %mul3A_42 : f32 to vector<16xf32>
    %mul3A_44 = arith.mulf %add3A_41, %mul3A_43 : vector<16xf32>
    %swap3A_45 = arith.constant 0 : i32
    %swap3A_46 = arith.index_cast %swap3A_45 : i32 to index
    %swap3A_47 = arith.constant 16 : index
    %swap3A_48 = tpu.vector_load %arg10[%swap3A_46, %swap3A_47] {strides = array<i32>} : memref<8x128xf32, #tpu.memory_space<vmem>>, vector<1x16xf32>,
    %swap3A_49 = vector.shape_cast %swap3A_48 : vector<1x16xf32> to vector<16xf32>
    %swap3A_50 = vector.shape_cast %mul3A_44 : vector<16xf32> to vector<1x16xf32>
    tpu.vector_store %arg10[%swap3A_46, %swap3A_47], %swap3A_50 {strides = array<i32>} : memref<8x128xf32, #tpu.memory_space<vmem>>, vector<1x16xf32>,
    %get3A_51 = arith.constant 0 : i32
    %get3A_52 = arith.index_cast %get3A_51 : i32 to index
    %get3A_53 = arith.constant 32 : index
    %get3A_54 = tpu.vector_load %arg8[%get3A_52, %get3A_53] {strides = array<i32>} : memref<8x128xf32, #tpu.memory_space<vmem>>, vector<1x16xf32>,
    %get3A_55 = vector.shape_cast %get3A_54 : vector<1x16xf32> to vector<16xf32>
    %get3A_56 = arith.constant 0 : i32
    %get3A_57 = arith.index_cast %get3A_56 : i32 to index
    %get3A_58 = arith.constant 32 : index
    %get3A_59 = tpu.vector_load %arg9[%get3A_57, %get3A_58] {strides = array<i32>} : memref<8x128xf32, #tpu.memory_space<vmem>>, vector<1x16xf32>,
    %get3A_60 = vector.shape_cast %get3A_59 : vector<1x16xf32> to vector<16xf32>
    %add3A_61 = arith.addf %get3A_55, %get3A_60 : vector<16xf32>
    %mul3A_62 = arith.constant 5.000000e-01 : f32
    %mul3A_63 = vector.broadcast %mul3A_62 : f32 to vector<16xf32>
    %mul3A_64 = arith.mulf %add3A_61, %mul3A_63 : vector<16xf32>
    %swap3A_65 = arith.constant 0 : i32
    %swap3A_66 = arith.index_cast %swap3A_65 : i32 to index
    %swap3A_67 = arith.constant 32 : index
    %swap3A_68 = tpu.vector_load %arg10[%swap3A_66, %swap3A_67] {strides = array<i32>} : memref<8x128xf32, #tpu.memory_space<vmem>>, vector<1x16xf32>,
    %swap3A_69 = vector.shape_cast %swap3A_68 : vector<1x16xf32> to vector<16xf32>
    %swap3A_70 = vector.shape_cast %mul3A_64 : vector<16xf32> to vector<1x16xf32>
    tpu.vector_store %arg10[%swap3A_66, %swap3A_67], %swap3A_70 {strides = array<i32>} : memref<8x128xf32, #tpu.memory_space<vmem>>, vector<1x16xf32>,
    %get3A_71 = arith.constant 0 : i32
    %get3A_72 = arith.index_cast %get3A_71 : i32 to index
    %get3A_73 = arith.constant 48 : index
    %get3A_74 = tpu.vector_load %arg8[%get3A_72, %get3A_73] {strides = array<i32>} : memref<8x128xf32, #tpu.memory_space<vmem>>, vector<1x16xf32>,
    %get3A_75 = vector.shape_cast %get3A_74 : vector<1x16xf32> to vector<16xf32>
    %get3A_76 = arith.constant 0 : i32
    %get3A_77 = arith.index_cast %get3A_76 : i32 to index
    %get3A_78 = arith.constant 48 : index
    %get3A_79 = tpu.vector_load %arg9[%get3A_77, %get3A_78] {strides = array<i32>} : memref<8x128xf32, #tpu.memory_space<vmem>>, vector<1x16xf32>,
    %get3A_80 = vector.shape_cast %get3A_79 : vector<1x16xf32> to vector<16xf32>
    %add3A_81 = arith.addf %get3A_75, %get3A_80 : vector<16xf32>
    %mul3A_82 = arith.constant 5.000000e-01 : f32
    %mul3A_83 = vector.broadcast %mul3A_82 : f32 to vector<16xf32>
    %mul3A_84 = arith.mulf %add3A_81, %mul3A_83 : vector<16xf32>
    %swap3A_85 = arith.constant 0 : i32
    %swap3A_86 = arith.index_cast %swap3A_85 : i32 to index
    %swap3A_87 = arith.constant 48 : index
    %swap3A_88 = tpu.vector_load %arg10[%swap3A_86, %swap3A_87] {strides = array<i32>} : memref<8x128xf32, #tpu.memory_space<vmem>>, vector<1x16xf32>,
    %swap3A_89 = vector.shape_cast %swap3A_88 : vector<1x16xf32> to vector<16xf32>
    %swap3A_90 = vector.shape_cast %mul3A_84 : vector<16xf32> to vector<1x16xf32>
    tpu.vector_store %arg10[%swap3A_86, %swap3A_87], %swap3A_90 {strides = array<i32>} : memref<8x128xf32, #tpu.memory_space<vmem>>, vector<1x16xf32>,
    %get3A_91 = arith.constant 0 : i32
    %get3A_92 = arith.index_cast %get3A_91 : i32 to index
    %get3A_93 = arith.constant 64 : index
    %get3A_94 = tpu.vector_load %arg8[%get3A_92, %get3A_93] {strides = array<i32>} : memref<8x128xf32, #tpu.memory_space<vmem>>, vector<1x16xf32>,
    %get3A_95 = vector.shape_cast %get3A_94 : vector<1x16xf32> to vector<16xf32>
    %get3A_96 = arith.constant 0 : i32
    %get3A_97 = arith.index_cast %get3A_96 : i32 to index
    %get3A_98 = arith.constant 64 : index
    %get3A_99 = tpu.vector_load %arg9[%get3A_97, %get3A_98] {strides = array<i32>} : memref<8x128xf32, #tpu.memory_space<vmem>>, vector<1x16xf32>,
    %get3A_100 = vector.shape_cast %get3A_99 : vector<1x16xf32> to vector<16xf32>
    %add3A_101 = arith.addf %get3A_95, %get3A_100 : vector<16xf32>
    %mul3A_102 = arith.constant 5.000000e-01 : f32
    %mul3A_103 = vector.broadcast %mul3A_102 : f32 to vector<16xf32>
    %mul3A_104 = arith.mulf %add3A_101, %mul3A_103 : vector<16xf32>
    %swap3A_105 = arith.constant 0 : i32
    %swap3A_106 = arith.index_cast %swap3A_105 : i32 to index
    %swap3A_107 = arith.constant 64 : index
    %swap3A_108 = tpu.vector_load %arg10[%swap3A_106, %swap3A_107] {strides = array<i32>} : memref<8x128xf32, #tpu.memory_space<vmem>>, vector<1x16xf32>,
    %swap3A_109 = vector.shape_cast %swap3A_108 : vector<1x16xf32> to vector<16xf32>
    %swap3A_110 = vector.shape_cast %mul3A_104 : vector<16xf32> to vector<1x16xf32>
    tpu.vector_store %arg10[%swap3A_106, %swap3A_107], %swap3A_110 {strides = array<i32>} : memref<8x128xf32, #tpu.memory_space<vmem>>, vector<1x16xf32>,
    %get3A_111 = arith.constant 0 : i32
    %get3A_112 = arith.index_cast %get3A_111 : i32 to index
    %get3A_113 = arith.constant 80 : index
    %get3A_114 = tpu.vector_load %arg8[%get3A_112, %get3A_113] {strides = array<i32>} : memref<8x128xf32, #tpu.memory_space<vmem>>, vector<1x16xf32>,
    %get3A_115 = vector.shape_cast %get3A_114 : vector<1x16xf32> to vector<16xf32>
    %get3A_116 = arith.constant 0 : i32
    %get3A_117 = arith.index_cast %get3A_116 : i32 to index
    %get3A_118 = arith.constant 80 : index
    %get3A_119 = tpu.vector_load %arg9[%get3A_117, %get3A_118] {strides = array<i32>} : memref<8x128xf32, #tpu.memory_space<vmem>>, vector<1x16xf32>,
    %get3A_120 = vector.shape_cast %get3A_119 : vector<1x16xf32> to vector<16xf32>
    %add3A_121 = arith.addf %get3A_115, %get3A_120 : vector<16xf32>
    %mul3A_122 = arith.constant 5.000000e-01 : f32
    %mul3A_123 = vector.broadcast %mul3A_122 : f32 to vector<16xf32>
    %mul3A_124 = arith.mulf %add3A_121, %mul3A_123 : vector<16xf32>
    %swap3A_125 = arith.constant 0 : i32
    %swap3A_126 = arith.index_cast %swap3A_125 : i32 to index
    %swap3A_127 = arith.constant 80 : index
    %swap3A_128 = tpu.vector_load %arg10[%swap3A_126, %swap3A_127] {strides = array<i32>} : memref<8x128xf32, #tpu.memory_space<vmem>>, vector<1x16xf32>,
    %swap3A_129 = vector.shape_cast %swap3A_128 : vector<1x16xf32> to vector<16xf32>
    %swap3A_130 = vector.shape_cast %mul3A_124 : vector<16xf32> to vector<1x16xf32>
    tpu.vector_store %arg10[%swap3A_126, %swap3A_127], %swap3A_130 {strides = array<i32>} : memref<8x128xf32, #tpu.memory_space<vmem>>, vector<1x16xf32>,
    %get3A_131 = arith.constant 0 : i32
    %get3A_132 = arith.index_cast %get3A_131 : i32 to index
    %get3A_133 = arith.constant 96 : index
    %get3A_134 = tpu.vector_load %arg8[%get3A_132, %get3A_133] {strides = array<i32>} : memref<8x128xf32, #tpu.memory_space<vmem>>, vector<1x16xf32>,
    %get3A_135 = vector.shape_cast %get3A_134 : vector<1x16xf32> to vector<16xf32>
    %get3A_136 = arith.constant 0 : i32
    %get3A_137 = arith.index_cast %get3A_136 : i32 to index
    %get3A_138 = arith.constant 96 : index
    %get3A_139 = tpu.vector_load %arg9[%get3A_137, %get3A_138] {strides = array<i32>} : memref<8x128xf32, #tpu.memory_space<vmem>>, vector<1x16xf32>,
    %get3A_140 = vector.shape_cast %get3A_139 : vector<1x16xf32> to vector<16xf32>
    %add3A_141 = arith.addf %get3A_135, %get3A_140 : vector<16xf32>
    %mul3A_142 = arith.constant 5.000000e-01 : f32
    %mul3A_143 = vector.broadcast %mul3A_142 : f32 to vector<16xf32>
    %mul3A_144 = arith.mulf %add3A_141, %mul3A_143 : vector<16xf32>
    %swap3A_145 = arith.constant 0 : i32
    %swap3A_146 = arith.index_cast %swap3A_145 : i32 to index
    %swap3A_147 = arith.constant 96 : index
    %swap3A_148 = tpu.vector_load %arg10[%swap3A_146, %swap3A_147] {strides = array<i32>} : memref<8x128xf32, #tpu.memory_space<vmem>>, vector<1x16xf32>,
    %swap3A_149 = vector.shape_cast %swap3A_148 : vector<1x16xf32> to vector<16xf32>
    %swap3A_150 = vector.shape_cast %mul3A_144 : vector<16xf32> to vector<1x16xf32>
    tpu.vector_store %arg10[%swap3A_146, %swap3A_147], %swap3A_150 {strides = array<i32>} : memref<8x128xf32, #tpu.memory_space<vmem>>, vector<1x16xf32>,
    %get3A_151 = arith.constant 0 : i32
    %get3A_152 = arith.index_cast %get3A_151 : i32 to index
    %get3A_153 = arith.constant 112 : index
    %get3A_154 = tpu.vector_load %arg8[%get3A_152, %get3A_153] {strides = array<i32>} : memref<8x128xf32, #tpu.memory_space<vmem>>, vector<1x16xf32>,
    %get3A_155 = vector.shape_cast %get3A_154 : vector<1x16xf32> to vector<16xf32>
    %get3A_156 = arith.constant 0 : i32
    %get3A_157 = arith.index_cast %get3A_156 : i32 to index
    %get3A_158 = arith.constant 112 : index
    %get3A_159 = tpu.vector_load %arg9[%get3A_157, %get3A_158] {strides = array<i32>} : memref<8x128xf32, #tpu.memory_space<vmem>>, vector<1x16xf32>,
    %get3A_160 = vector.shape_cast %get3A_159 : vector<1x16xf32> to vector<16xf32>
    %add3A_161 = arith.addf %get3A_155, %get3A_160 : vector<16xf32>
    %mul3A_162 = arith.constant 5.000000e-01 : f32
    %mul3A_163 = vector.broadcast %mul3A_162 : f32 to vector<16xf32>
    %mul3A_164 = arith.mulf %add3A_161, %mul3A_163 : vector<16xf32>
    %swap3A_165 = arith.constant 0 : i32
    %swap3A_166 = arith.index_cast %swap3A_165 : i32 to index
    %swap3A_167 = arith.constant 112 : index
    %swap3A_168 = tpu.vector_load %arg10[%swap3A_166, %swap3A_167] {strides = array<i32>} : memref<8x128xf32, #tpu.memory_space<vmem>>, vector<1x16xf32>,
    %swap3A_169 = vector.shape_cast %swap3A_168 : vector<1x16xf32> to vector<16xf32>
    %swap3A_170 = vector.shape_cast %mul3A_164 : vector<16xf32> to vector<1x16xf32>
    tpu.vector_store %arg10[%swap3A_166, %swap3A_167], %swap3A_170 {strides = array<i32>} : memref<8x128xf32, #tpu.memory_space<vmem>>, vector<1x16xf32>,
    %get3A_171 = arith.constant 1 : i32
    %get3A_172 = arith.index_cast %get3A_171 : i32 to index
    %get3A_173 = arith.constant 0 : index
    %get3A_174 = tpu.vector_load %arg8[%get3A_172, %get3A_173] {strides = array<i32>} : memref<8x128xf32, #tpu.memory_space<vmem>>, vector<1x16xf32>,
    %get3A_175 = vector.shape_cast %get3A_174 : vector<1x16xf32> to vector<16xf32>
    %get3A_176 = arith.constant 1 : i32
    %get3A_177 = arith.index_cast %get3A_176 : i32 to index
    %get3A_178 = arith.constant 0 : index
    %get3A_179 = tpu.vector_load %arg9[%get3A_177, %get3A_178] {strides = array<i32>} : memref<8x128xf32, #tpu.memory_space<vmem>>, vector<1x16xf32>,
    %get3A_180 = vector.shape_cast %get3A_179 : vector<1x16xf32> to vector<16xf32>
    %add3A_181 = arith.addf %get3A_175, %get3A_180 : vector<16xf32>
    %mul3A_182 = arith.constant 5.000000e-01 : f32
    %mul3A_183 = vector.broadcast %mul3A_182 : f32 to vector<16xf32>
    %mul3A_184 = arith.mulf %add3A_181, %mul3A_183 : vector<16xf32>
    %swap3A_185 = arith.constant 1 : i32
    %swap3A_186 = arith.index_cast %swap3A_185 : i32 to index
    %swap3A_187 = arith.constant 0 : index
    %swap3A_188 = tpu.vector_load %arg10[%swap3A_186, %swap3A_187] {strides = array<i32>} : memref<8x128xf32, #tpu.memory_space<vmem>>, vector<1x16xf32>,
    %swap3A_189 = vector.shape_cast %swap3A_188 : vector<1x16xf32> to vector<16xf32>
    %swap3A_190 = vector.shape_cast %mul3A_184 : vector<16xf32> to vector<1x16xf32>
    tpu.vector_store %arg10[%swap3A_186, %swap3A_187], %swap3A_190 {strides = array<i32>} : memref<8x128xf32, #tpu.memory_space<vmem>>, vector<1x16xf32>,
    %get3A_191 = arith.constant 1 : i32
    %get3A_192 = arith.index_cast %get3A_191 : i32 to index
    %get3A_193 = arith.constant 16 : index
    %get3A_194 = tpu.vector_load %arg8[%get3A_192, %get3A_193] {strides = array<i32>} : memref<8x128xf32, #tpu.memory_space<vmem>>, vector<1x16xf32>,
    %get3A_195 = vector.shape_cast %get3A_194 : vector<1x16xf32> to vector<16xf32>
    %get3A_196 = arith.constant 1 : i32
    %get3A_197 = arith.index_cast %get3A_196 : i32 to index
    %get3A_198 = arith.constant 16 : index
    %get3A_199 = tpu.vector_load %arg9[%get3A_197, %get3A_198] {strides = array<i32>} : memref<8x128xf32, #tpu.memory_space<vmem>>, vector<1x16xf32>,
    %get3A_200 = vector.shape_cast %get3A_199 : vector<1x16xf32> to vector<16xf32>
    %add3A_201 = arith.addf %get3A_195, %get3A_200 : vector<16xf32>
    %mul3A_202 = arith.constant 5.000000e-01 : f32
    %mul3A_203 = vector.broadcast %mul3A_202 : f32 to vector<16xf32>
    %mul3A_204 = arith.mulf %add3A_201, %mul3A_203 : vector<16xf32>
    %swap3A_205 = arith.constant 1 : i32
    %swap3A_206 = arith.index_cast %swap3A_205 : i32 to index
    %swap3A_207 = arith.constant 16 : index
    %swap3A_208 = tpu.vector_load %arg10[%swap3A_206, %swap3A_207] {strides = array<i32>} : memref<8x128xf32, #tpu.memory_space<vmem>>, vector<1x16xf32>,
    %swap3A_209 = vector.shape_cast %swap3A_208 : vector<1x16xf32> to vector<16xf32>
    %swap3A_210 = vector.shape_cast %mul3A_204 : vector<16xf32> to vector<1x16xf32>
    tpu.vector_store %arg10[%swap3A_206, %swap3A_207], %swap3A_210 {strides = array<i32>} : memref<8x128xf32, #tpu.memory_space<vmem>>, vector<1x16xf32>,
    %get3A_211 = arith.constant 1 : i32
    %get3A_212 = arith.index_cast %get3A_211 : i32 to index
    %get3A_213 = arith.constant 32 : index
    %get3A_214 = tpu.vector_load %arg8[%get3A_212, %get3A_213] {strides = array<i32>} : memref<8x128xf32, #tpu.memory_space<vmem>>, vector<1x16xf32>,
    %get3A_215 = vector.shape_cast %get3A_214 : vector<1x16xf32> to vector<16xf32>
    %get3A_216 = arith.constant 1 : i32
    %get3A_217 = arith.index_cast %get3A_216 : i32 to index
    %get3A_218 = arith.constant 32 : index
    %get3A_219 = tpu.vector_load %arg9[%get3A_217, %get3A_218] {strides = array<i32>} : memref<8x128xf32, #tpu.memory_space<vmem>>, vector<1x16xf32>,
    %get3A_220 = vector.shape_cast %get3A_219 : vector<1x16xf32> to vector<16xf32>
    %add3A_221 = arith.addf %get3A_215, %get3A_220 : vector<16xf32>
    %mul3A_222 = arith.constant 5.000000e-01 : f32
    %mul3A_223 = vector.broadcast %mul3A_222 : f32 to vector<16xf32>
    %mul3A_224 = arith.mulf %add3A_221, %mul3A_223 : vector<16xf32>
    %swap3A_225 = arith.constant 1 : i32
    %swap3A_226 = arith.index_cast %swap3A_225 : i32 to index
    %swap3A_227 = arith.constant 32 : index
    %swap3A_228 = tpu.vector_load %arg10[%swap3A_226, %swap3A_227] {strides = array<i32>} : memref<8x128xf32, #tpu.memory_space<vmem>>, vector<1x16xf32>,
    %swap3A_229 = vector.shape_cast %swap3A_228 : vector<1x16xf32> to vector<16xf32>
    %swap3A_230 = vector.shape_cast %mul3A_224 : vector<16xf32> to vector<1x16xf32>
    tpu.vector_store %arg10[%swap3A_226, %swap3A_227], %swap3A_230 {strides = array<i32>} : memref<8x128xf32, #tpu.memory_space<vmem>>, vector<1x16xf32>,
    %get3A_231 = arith.constant 1 : i32
    %get3A_232 = arith.index_cast %get3A_231 : i32 to index
    %get3A_233 = arith.constant 48 : index
    %get3A_234 = tpu.vector_load %arg8[%get3A_232, %get3A_233] {strides = array<i32>} : memref<8x128xf32, #tpu.memory_space<vmem>>, vector<1x16xf32>,
    %get3A_235 = vector.shape_cast %get3A_234 : vector<1x16xf32> to vector<16xf32>
    %get3A_236 = arith.constant 1 : i32
    %get3A_237 = arith.index_cast %get3A_236 : i32 to index
    %get3A_238 = arith.constant 48 : index
    %get3A_239 = tpu.vector_load %arg9[%get3A_237, %get3A_238] {strides = array<i32>} : memref<8x128xf32, #tpu.memory_space<vmem>>, vector<1x16xf32>,
    %get3A_240 = vector.shape_cast %get3A_239 : vector<1x16xf32> to vector<16xf32>
    %add3A_241 = arith.addf %get3A_235, %get3A_240 : vector<16xf32>
    %mul3A_242 = arith.constant 5.000000e-01 : f32
    %mul3A_243 = vector.broadcast %mul3A_242 : f32 to vector<16xf32>
    %mul3A_244 = arith.mulf %add3A_241, %mul3A_243 : vector<16xf32>
    %swap3A_245 = arith.constant 1 : i32
    %swap3A_246 = arith.index_cast %swap3A_245 : i32 to index
    %swap3A_247 = arith.constant 48 : index
    %swap3A_248 = tpu.vector_load %arg10[%swap3A_246, %swap3A_247] {strides = array<i32>} : memref<8x128xf32, #tpu.memory_space<vmem>>, vector<1x16xf32>,
    %swap3A_249 = vector.shape_cast %swap3A_248 : vector<1x16xf32> to vector<16xf32>
    %swap3A_250 = vector.shape_cast %mul3A_244 : vector<16xf32> to vector<1x16xf32>
    tpu.vector_store %arg10[%swap3A_246, %swap3A_247], %swap3A_250 {strides = array<i32>} : memref<8x128xf32, #tpu.memory_space<vmem>>, vector<1x16xf32>,
    %get3A_251 = arith.constant 1 : i32
    %get3A_252 = arith.index_cast %get3A_251 : i32 to index
    %get3A_253 = arith.constant 64 : index
    %get3A_254 = tpu.vector_load %arg8[%get3A_252, %get3A_253] {strides = array<i32>} : memref<8x128xf32, #tpu.memory_space<vmem>>, vector<1x16xf32>,
    %get3A_255 = vector.shape_cast %get3A_254 : vector<1x16xf32> to vector<16xf32>
    %get3A_256 = arith.constant 1 : i32
    %get3A_257 = arith.index_cast %get3A_256 : i32 to index
    %get3A_258 = arith.constant 64 : index
    %get3A_259 = tpu.vector_load %arg9[%get3A_257, %get3A_258] {strides = array<i32>} : memref<8x128xf32, #tpu.memory_space<vmem>>, vector<1x16xf32>,
    %get3A_260 = vector.shape_cast %get3A_259 : vector<1x16xf32> to vector<16xf32>
    %add3A_261 = arith.addf %get3A_255, %get3A_260 : vector<16xf32>
    %mul3A_262 = arith.constant 5.000000e-01 : f32
    %mul3A_263 = vector.broadcast %mul3A_262 : f32 to vector<16xf32>
    %mul3A_264 = arith.mulf %add3A_261, %mul3A_263 : vector<16xf32>
    %swap3A_265 = arith.constant 1 : i32
    %swap3A_266 = arith.index_cast %swap3A_265 : i32 to index
    %swap3A_267 = arith.constant 64 : index
    %swap3A_268 = tpu.vector_load %arg10[%swap3A_266, %swap3A_267] {strides = array<i32>} : memref<8x128xf32, #tpu.memory_space<vmem>>, vector<1x16xf32>,
    %swap3A_269 = vector.shape_cast %swap3A_268 : vector<1x16xf32> to vector<16xf32>
    %swap3A_270 = vector.shape_cast %mul3A_264 : vector<16xf32> to vector<1x16xf32>
    tpu.vector_store %arg10[%swap3A_266, %swap3A_267], %swap3A_270 {strides = array<i32>} : memref<8x128xf32, #tpu.memory_space<vmem>>, vector<1x16xf32>,
    %get3A_271 = arith.constant 1 : i32
    %get3A_272 = arith.index_cast %get3A_271 : i32 to index
    %get3A_273 = arith.constant 80 : index
    %get3A_274 = tpu.vector_load %arg8[%get3A_272, %get3A_273] {strides = array<i32>} : memref<8x128xf32, #tpu.memory_space<vmem>>, vector<1x16xf32>,
    %get3A_275 = vector.shape_cast %get3A_274 : vector<1x16xf32> to vector<16xf32>
    %get3A_276 = arith.constant 1 : i32
    %get3A_277 = arith.index_cast %get3A_276 : i32 to index
    %get3A_278 = arith.constant 80 : index
    %get3A_279 = tpu.vector_load %arg9[%get3A_277, %get3A_278] {strides = array<i32>} : memref<8x128xf32, #tpu.memory_space<vmem>>, vector<1x16xf32>,
    %get3A_280 = vector.shape_cast %get3A_279 : vector<1x16xf32> to vector<16xf32>
    %add3A_281 = arith.addf %get3A_275, %get3A_280 : vector<16xf32>
    %mul3A_282 = arith.constant 5.000000e-01 : f32
    %mul3A_283 = vector.broadcast %mul3A_282 : f32 to vector<16xf32>
    %mul3A_284 = arith.mulf %add3A_281, %mul3A_283 : vector<16xf32>
    %swap3A_285 = arith.constant 1 : i32
    %swap3A_286 = arith.index_cast %swap3A_285 : i32 to index
    %swap3A_287 = arith.constant 80 : index
    %swap3A_288 = tpu.vector_load %arg10[%swap3A_286, %swap3A_287] {strides = array<i32>} : memref<8x128xf32, #tpu.memory_space<vmem>>, vector<1x16xf32>,
    %swap3A_289 = vector.shape_cast %swap3A_288 : vector<1x16xf32> to vector<16xf32>
    %swap3A_290 = vector.shape_cast %mul3A_284 : vector<16xf32> to vector<1x16xf32>
    tpu.vector_store %arg10[%swap3A_286, %swap3A_287], %swap3A_290 {strides = array<i32>} : memref<8x128xf32, #tpu.memory_space<vmem>>, vector<1x16xf32>,
    %get3A_291 = arith.constant 1 : i32
    %get3A_292 = arith.index_cast %get3A_291 : i32 to index
    %get3A_293 = arith.constant 96 : index
    %get3A_294 = tpu.vector_load %arg8[%get3A_292, %get3A_293] {strides = array<i32>} : memref<8x128xf32, #tpu.memory_space<vmem>>, vector<1x16xf32>,
    %get3A_295 = vector.shape_cast %get3A_294 : vector<1x16xf32> to vector<16xf32>
    %get3A_296 = arith.constant 1 : i32
    %get3A_297 = arith.index_cast %get3A_296 : i32 to index
    %get3A_298 = arith.constant 96 : index
    %get3A_299 = tpu.vector_load %arg9[%get3A_297, %get3A_298] {strides = array<i32>} : memref<8x128xf32, #tpu.memory_space<vmem>>, vector<1x16xf32>,
    %get3A_300 = vector.shape_cast %get3A_299 : vector<1x16xf32> to vector<16xf32>
    %add3A_301 = arith.addf %get3A_295, %get3A_300 : vector<16xf32>
    %mul3A_302 = arith.constant 5.000000e-01 : f32
    %mul3A_303 = vector.broadcast %mul3A_302 : f32 to vector<16xf32>
    %mul3A_304 = arith.mulf %add3A_301, %mul3A_303 : vector<16xf32>
    %swap3A_305 = arith.constant 1 : i32
    %swap3A_306 = arith.index_cast %swap3A_305 : i32 to index
    %swap3A_307 = arith.constant 96 : index
    %swap3A_308 = tpu.vector_load %arg10[%swap3A_306, %swap3A_307] {strides = array<i32>} : memref<8x128xf32, #tpu.memory_space<vmem>>, vector<1x16xf32>,
    %swap3A_309 = vector.shape_cast %swap3A_308 : vector<1x16xf32> to vector<16xf32>
    %swap3A_310 = vector.shape_cast %mul3A_304 : vector<16xf32> to vector<1x16xf32>
    tpu.vector_store %arg10[%swap3A_306, %swap3A_307], %swap3A_310 {strides = array<i32>} : memref<8x128xf32, #tpu.memory_space<vmem>>, vector<1x16xf32>,
    %get3A_311 = arith.constant 1 : i32
    %get3A_312 = arith.index_cast %get3A_311 : i32 to index
    %get3A_313 = arith.constant 112 : index
    %get3A_314 = tpu.vector_load %arg8[%get3A_312, %get3A_313] {strides = array<i32>} : memref<8x128xf32, #tpu.memory_space<vmem>>, vector<1x16xf32>,
    %get3A_315 = vector.shape_cast %get3A_314 : vector<1x16xf32> to vector<16xf32>
    %get3A_316 = arith.constant 1 : i32
    %get3A_317 = arith.index_cast %get3A_316 : i32 to index
    %get3A_318 = arith.constant 112 : index
    %get3A_319 = tpu.vector_load %arg9[%get3A_317, %get3A_318] {strides = array<i32>} : memref<8x128xf32, #tpu.memory_space<vmem>>, vector<1x16xf32>,
    %get3A_320 = vector.shape_cast %get3A_319 : vector<1x16xf32> to vector<16xf32>
    %add3A_321 = arith.addf %get3A_315, %get3A_320 : vector<16xf32>
    %mul3A_322 = arith.constant 5.000000e-01 : f32
    %mul3A_323 = vector.broadcast %mul3A_322 : f32 to vector<16xf32>
    %mul3A_324 = arith.mulf %add3A_321, %mul3A_323 : vector<16xf32>
    %swap3A_325 = arith.constant 1 : i32
    %swap3A_326 = arith.index_cast %swap3A_325 : i32 to index
    %swap3A_327 = arith.constant 112 : index
    %swap3A_328 = tpu.vector_load %arg10[%swap3A_326, %swap3A_327] {strides = array<i32>} : memref<8x128xf32, #tpu.memory_space<vmem>>, vector<1x16xf32>,
    %swap3A_329 = vector.shape_cast %swap3A_328 : vector<1x16xf32> to vector<16xf32>
    %swap3A_330 = vector.shape_cast %mul3A_324 : vector<16xf32> to vector<1x16xf32>
    tpu.vector_store %arg10[%swap3A_326, %swap3A_327], %swap3A_330 {strides = array<i32>} : memref<8x128xf32, #tpu.memory_space<vmem>>, vector<1x16xf32>,
    %get3A_331 = arith.constant 2 : i32
    %get3A_332 = arith.index_cast %get3A_331 : i32 to index
    %get3A_333 = arith.constant 0 : index
    %get3A_334 = tpu.vector_load %arg8[%get3A_332, %get3A_333] {strides = array<i32>} : memref<8x128xf32, #tpu.memory_space<vmem>>, vector<1x16xf32>,
    %get3A_335 = vector.shape_cast %get3A_334 : vector<1x16xf32> to vector<16xf32>
    %get3A_336 = arith.constant 2 : i32
    %get3A_337 = arith.index_cast %get3A_336 : i32 to index
    %get3A_338 = arith.constant 0 : index
    %get3A_339 = tpu.vector_load %arg9[%get3A_337, %get3A_338] {strides = array<i32>} : memref<8x128xf32, #tpu.memory_space<vmem>>, vector<1x16xf32>,
    %get3A_340 = vector.shape_cast %get3A_339 : vector<1x16xf32> to vector<16xf32>
    %add3A_341 = arith.addf %get3A_335, %get3A_340 : vector<16xf32>
    %mul3A_342 = arith.constant 5.000000e-01 : f32
    %mul3A_343 = vector.broadcast %mul3A_342 : f32 to vector<16xf32>
    %mul3A_344 = arith.mulf %add3A_341, %mul3A_343 : vector<16xf32>
    %swap3A_345 = arith.constant 2 : i32
    %swap3A_346 = arith.index_cast %swap3A_345 : i32 to index
    %swap3A_347 = arith.constant 0 : index
    %swap3A_348 = tpu.vector_load %arg10[%swap3A_346, %swap3A_347] {strides = array<i32>} : memref<8x128xf32, #tpu.memory_space<vmem>>, vector<1x16xf32>,
    %swap3A_349 = vector.shape_cast %swap3A_348 : vector<1x16xf32> to vector<16xf32>
    %swap3A_350 = vector.shape_cast %mul3A_344 : vector<16xf32> to vector<1x16xf32>
    tpu.vector_store %arg10[%swap3A_346, %swap3A_347], %swap3A_350 {strides = array<i32>} : memref<8x128xf32, #tpu.memory_space<vmem>>, vector<1x16xf32>,
    %get3A_351 = arith.constant 2 : i32
    %get3A_352 = arith.index_cast %get3A_351 : i32 to index
    %get3A_353 = arith.constant 16 : index
    %get3A_354 = tpu.vector_load %arg8[%get3A_352, %get3A_353] {strides = array<i32>} : memref<8x128xf32, #tpu.memory_space<vmem>>, vector<1x16xf32>,
    %get3A_355 = vector.shape_cast %get3A_354 : vector<1x16xf32> to vector<16xf32>
    %get3A_356 = arith.constant 2 : i32
    %get3A_357 = arith.index_cast %get3A_356 : i32 to index
    %get3A_358 = arith.constant 16 : index
    %get3A_359 = tpu.vector_load %arg9[%get3A_357, %get3A_358] {strides = array<i32>} : memref<8x128xf32, #tpu.memory_space<vmem>>, vector<1x16xf32>,
    %get3A_360 = vector.shape_cast %get3A_359 : vector<1x16xf32> to vector<16xf32>
    %add3A_361 = arith.addf %get3A_355, %get3A_360 : vector<16xf32>
    %mul3A_362 = arith.constant 5.000000e-01 : f32
    %mul3A_363 = vector.broadcast %mul3A_362 : f32 to vector<16xf32>
    %mul3A_364 = arith.mulf %add3A_361, %mul3A_363 : vector<16xf32>
    %swap3A_365 = arith.constant 2 : i32
    %swap3A_366 = arith.index_cast %swap3A_365 : i32 to index
    %swap3A_367 = arith.constant 16 : index
    %swap3A_368 = tpu.vector_load %arg10[%swap3A_366, %swap3A_367] {strides = array<i32>} : memref<8x128xf32, #tpu.memory_space<vmem>>, vector<1x16xf32>,
    %swap3A_369 = vector.shape_cast %swap3A_368 : vector<1x16xf32> to vector<16xf32>
    %swap3A_370 = vector.shape_cast %mul3A_364 : vector<16xf32> to vector<1x16xf32>
    tpu.vector_store %arg10[%swap3A_366, %swap3A_367], %swap3A_370 {strides = array<i32>} : memref<8x128xf32, #tpu.memory_space<vmem>>, vector<1x16xf32>,
    %get3A_371 = arith.constant 2 : i32
    %get3A_372 = arith.index_cast %get3A_371 : i32 to index
    %get3A_373 = arith.constant 32 : index
    %get3A_374 = tpu.vector_load %arg8[%get3A_372, %get3A_373] {strides = array<i32>} : memref<8x128xf32, #tpu.memory_space<vmem>>, vector<1x16xf32>,
    %get3A_375 = vector.shape_cast %get3A_374 : vector<1x16xf32> to vector<16xf32>
    %get3A_376 = arith.constant 2 : i32
    %get3A_377 = arith.index_cast %get3A_376 : i32 to index
    %get3A_378 = arith.constant 32 : index
    %get3A_379 = tpu.vector_load %arg9[%get3A_377, %get3A_378] {strides = array<i32>} : memref<8x128xf32, #tpu.memory_space<vmem>>, vector<1x16xf32>,
    %get3A_380 = vector.shape_cast %get3A_379 : vector<1x16xf32> to vector<16xf32>
    %add3A_381 = arith.addf %get3A_375, %get3A_380 : vector<16xf32>
    %mul3A_382 = arith.constant 5.000000e-01 : f32
    %mul3A_383 = vector.broadcast %mul3A_382 : f32 to vector<16xf32>
    %mul3A_384 = arith.mulf %add3A_381, %mul3A_383 : vector<16xf32>
    %swap3A_385 = arith.constant 2 : i32
    %swap3A_386 = arith.index_cast %swap3A_385 : i32 to index
    %swap3A_387 = arith.constant 32 : index
    %swap3A_388 = tpu.vector_load %arg10[%swap3A_386, %swap3A_387] {strides = array<i32>} : memref<8x128xf32, #tpu.memory_space<vmem>>, vector<1x16xf32>,
    %swap3A_389 = vector.shape_cast %swap3A_388 : vector<1x16xf32> to vector<16xf32>
    %swap3A_390 = vector.shape_cast %mul3A_384 : vector<16xf32> to vector<1x16xf32>
    tpu.vector_store %arg10[%swap3A_386, %swap3A_387], %swap3A_390 {strides = array<i32>} : memref<8x128xf32, #tpu.memory_space<vmem>>, vector<1x16xf32>,
    %get3A_391 = arith.constant 2 : i32
    %get3A_392 = arith.index_cast %get3A_391 : i32 to index
    %get3A_393 = arith.constant 48 : index
    %get3A_394 = tpu.vector_load %arg8[%get3A_392, %get3A_393] {strides = array<i32>} : memref<8x128xf32, #tpu.memory_space<vmem>>, vector<1x16xf32>,
    %get3A_395 = vector.shape_cast %get3A_394 : vector<1x16xf32> to vector<16xf32>
    %get3A_396 = arith.constant 2 : i32
    %get3A_397 = arith.index_cast %get3A_396 : i32 to index
    %get3A_398 = arith.constant 48 : index
    %get3A_399 = tpu.vector_load %arg9[%get3A_397, %get3A_398] {strides = array<i32>} : memref<8x128xf32, #tpu.memory_space<vmem>>, vector<1x16xf32>,
    %get3A_400 = vector.shape_cast %get3A_399 : vector<1x16xf32> to vector<16xf32>
    %add3A_401 = arith.addf %get3A_395, %get3A_400 : vector<16xf32>
    %mul3A_402 = arith.constant 5.000000e-01 : f32
    %mul3A_403 = vector.broadcast %mul3A_402 : f32 to vector<16xf32>
    %mul3A_404 = arith.mulf %add3A_401, %mul3A_403 : vector<16xf32>
    %swap3A_405 = arith.constant 2 : i32
    %swap3A_406 = arith.index_cast %swap3A_405 : i32 to index
    %swap3A_407 = arith.constant 48 : index
    %swap3A_408 = tpu.vector_load %arg10[%swap3A_406, %swap3A_407] {strides = array<i32>} : memref<8x128xf32, #tpu.memory_space<vmem>>, vector<1x16xf32>,
    %swap3A_409 = vector.shape_cast %swap3A_408 : vector<1x16xf32> to vector<16xf32>
    %swap3A_410 = vector.shape_cast %mul3A_404 : vector<16xf32> to vector<1x16xf32>
    tpu.vector_store %arg10[%swap3A_406, %swap3A_407], %swap3A_410 {strides = array<i32>} : memref<8x128xf32, #tpu.memory_space<vmem>>, vector<1x16xf32>,
    %get3A_411 = arith.constant 2 : i32
    %get3A_412 = arith.index_cast %get3A_411 : i32 to index
    %get3A_413 = arith.constant 64 : index
    %get3A_414 = tpu.vector_load %arg8[%get3A_412, %get3A_413] {strides = array<i32>} : memref<8x128xf32, #tpu.memory_space<vmem>>, vector<1x16xf32>,
    %get3A_415 = vector.shape_cast %get3A_414 : vector<1x16xf32> to vector<16xf32>
    %get3A_416 = arith.constant 2 : i32
    %get3A_417 = arith.index_cast %get3A_416 : i32 to index
    %get3A_418 = arith.constant 64 : index
    %get3A_419 = tpu.vector_load %arg9[%get3A_417, %get3A_418] {strides = array<i32>} : memref<8x128xf32, #tpu.memory_space<vmem>>, vector<1x16xf32>,
    %get3A_420 = vector.shape_cast %get3A_419 : vector<1x16xf32> to vector<16xf32>
    %add3A_421 = arith.addf %get3A_415, %get3A_420 : vector<16xf32>
    %mul3A_422 = arith.constant 5.000000e-01 : f32
    %mul3A_423 = vector.broadcast %mul3A_422 : f32 to vector<16xf32>
    %mul3A_424 = arith.mulf %add3A_421, %mul3A_423 : vector<16xf32>
    %swap3A_425 = arith.constant 2 : i32
    %swap3A_426 = arith.index_cast %swap3A_425 : i32 to index
    %swap3A_427 = arith.constant 64 : index
    %swap3A_428 = tpu.vector_load %arg10[%swap3A_426, %swap3A_427] {strides = array<i32>} : memref<8x128xf32, #tpu.memory_space<vmem>>, vector<1x16xf32>,
    %swap3A_429 = vector.shape_cast %swap3A_428 : vector<1x16xf32> to vector<16xf32>
    %swap3A_430 = vector.shape_cast %mul3A_424 : vector<16xf32> to vector<1x16xf32>
    tpu.vector_store %arg10[%swap3A_426, %swap3A_427], %swap3A_430 {strides = array<i32>} : memref<8x128xf32, #tpu.memory_space<vmem>>, vector<1x16xf32>,
    %get3A_431 = arith.constant 2 : i32
    %get3A_432 = arith.index_cast %get3A_431 : i32 to index
    %get3A_433 = arith.constant 80 : index
    %get3A_434 = tpu.vector_load %arg8[%get3A_432, %get3A_433] {strides = array<i32>} : memref<8x128xf32, #tpu.memory_space<vmem>>, vector<1x16xf32>,
    %get3A_435 = vector.shape_cast %get3A_434 : vector<1x16xf32> to vector<16xf32>
    %get3A_436 = arith.constant 2 : i32
    %get3A_437 = arith.index_cast %get3A_436 : i32 to index
    %get3A_438 = arith.constant 80 : index
    %get3A_439 = tpu.vector_load %arg9[%get3A_437, %get3A_438] {strides = array<i32>} : memref<8x128xf32, #tpu.memory_space<vmem>>, vector<1x16xf32>,
    %get3A_440 = vector.shape_cast %get3A_439 : vector<1x16xf32> to vector<16xf32>
    %add3A_441 = arith.addf %get3A_435, %get3A_440 : vector<16xf32>
    %mul3A_442 = arith.constant 5.000000e-01 : f32
    %mul3A_443 = vector.broadcast %mul3A_442 : f32 to vector<16xf32>
    %mul3A_444 = arith.mulf %add3A_441, %mul3A_443 : vector<16xf32>
    %swap3A_445 = arith.constant 2 : i32
    %swap3A_446 = arith.index_cast %swap3A_445 : i32 to index
    %swap3A_447 = arith.constant 80 : index
    %swap3A_448 = tpu.vector_load %arg10[%swap3A_446, %swap3A_447] {strides = array<i32>} : memref<8x128xf32, #tpu.memory_space<vmem>>, vector<1x16xf32>,
    %swap3A_449 = vector.shape_cast %swap3A_448 : vector<1x16xf32> to vector<16xf32>
    %swap3A_450 = vector.shape_cast %mul3A_444 : vector<16xf32> to vector<1x16xf32>
    tpu.vector_store %arg10[%swap3A_446, %swap3A_447], %swap3A_450 {strides = array<i32>} : memref<8x128xf32, #tpu.memory_space<vmem>>, vector<1x16xf32>,
    %get3A_451 = arith.constant 2 : i32
    %get3A_452 = arith.index_cast %get3A_451 : i32 to index
    %get3A_453 = arith.constant 96 : index
    %get3A_454 = tpu.vector_load %arg8[%get3A_452, %get3A_453] {strides = array<i32>} : memref<8x128xf32, #tpu.memory_space<vmem>>, vector<1x16xf32>,
    %get3A_455 = vector.shape_cast %get3A_454 : vector<1x16xf32> to vector<16xf32>
    %get3A_456 = arith.constant 2 : i32
    %get3A_457 = arith.index_cast %get3A_456 : i32 to index
    %get3A_458 = arith.constant 96 : index
    %get3A_459 = tpu.vector_load %arg9[%get3A_457, %get3A_458] {strides = array<i32>} : memref<8x128xf32, #tpu.memory_space<vmem>>, vector<1x16xf32>,
    %get3A_460 = vector.shape_cast %get3A_459 : vector<1x16xf32> to vector<16xf32>
    %add3A_461 = arith.addf %get3A_455, %get3A_460 : vector<16xf32>
    %mul3A_462 = arith.constant 5.000000e-01 : f32
    %mul3A_463 = vector.broadcast %mul3A_462 : f32 to vector<16xf32>
    %mul3A_464 = arith.mulf %add3A_461, %mul3A_463 : vector<16xf32>
    %swap3A_465 = arith.constant 2 : i32
    %swap3A_466 = arith.index_cast %swap3A_465 : i32 to index
    %swap3A_467 = arith.constant 96 : index
    %swap3A_468 = tpu.vector_load %arg10[%swap3A_466, %swap3A_467] {strides = array<i32>} : memref<8x128xf32, #tpu.memory_space<vmem>>, vector<1x16xf32>,
    %swap3A_469 = vector.shape_cast %swap3A_468 : vector<1x16xf32> to vector<16xf32>
    %swap3A_470 = vector.shape_cast %mul3A_464 : vector<16xf32> to vector<1x16xf32>
    tpu.vector_store %arg10[%swap3A_466, %swap3A_467], %swap3A_470 {strides = array<i32>} : memref<8x128xf32, #tpu.memory_space<vmem>>, vector<1x16xf32>,
    %get3A_471 = arith.constant 2 : i32
    %get3A_472 = arith.index_cast %get3A_471 : i32 to index
    %get3A_473 = arith.constant 112 : index
    %get3A_474 = tpu.vector_load %arg8[%get3A_472, %get3A_473] {strides = array<i32>} : memref<8x128xf32, #tpu.memory_space<vmem>>, vector<1x16xf32>,
    %get3A_475 = vector.shape_cast %get3A_474 : vector<1x16xf32> to vector<16xf32>
    %get3A_476 = arith.constant 2 : i32
    %get3A_477 = arith.index_cast %get3A_476 : i32 to index
    %get3A_478 = arith.constant 112 : index
    %get3A_479 = tpu.vector_load %arg9[%get3A_477, %get3A_478] {strides = array<i32>} : memref<8x128xf32, #tpu.memory_space<vmem>>, vector<1x16xf32>,
    %get3A_480 = vector.shape_cast %get3A_479 : vector<1x16xf32> to vector<16xf32>
    %add3A_481 = arith.addf %get3A_475, %get3A_480 : vector<16xf32>
    %mul3A_482 = arith.constant 5.000000e-01 : f32
    %mul3A_483 = vector.broadcast %mul3A_482 : f32 to vector<16xf32>
    %mul3A_484 = arith.mulf %add3A_481, %mul3A_483 : vector<16xf32>
    %swap3A_485 = arith.constant 2 : i32
    %swap3A_486 = arith.index_cast %swap3A_485 : i32 to index
    %swap3A_487 = arith.constant 112 : index
    %swap3A_488 = tpu.vector_load %arg10[%swap3A_486, %swap3A_487] {strides = array<i32>} : memref<8x128xf32, #tpu.memory_space<vmem>>, vector<1x16xf32>,
    %swap3A_489 = vector.shape_cast %swap3A_488 : vector<1x16xf32> to vector<16xf32>
    %swap3A_490 = vector.shape_cast %mul3A_484 : vector<16xf32> to vector<1x16xf32>
    tpu.vector_store %arg10[%swap3A_486, %swap3A_487], %swap3A_490 {strides = array<i32>} : memref<8x128xf32, #tpu.memory_space<vmem>>, vector<1x16xf32>,
    %get3A_491 = arith.constant 3 : i32
    %get3A_492 = arith.index_cast %get3A_491 : i32 to index
    %get3A_493 = arith.constant 0 : index
    %get3A_494 = tpu.vector_load %arg8[%get3A_492, %get3A_493] {strides = array<i32>} : memref<8x128xf32, #tpu.memory_space<vmem>>, vector<1x16xf32>,
    %get3A_495 = vector.shape_cast %get3A_494 : vector<1x16xf32> to vector<16xf32>
    %get3A_496 = arith.constant 3 : i32
    %get3A_497 = arith.index_cast %get3A_496 : i32 to index
    %get3A_498 = arith.constant 0 : index
    %get3A_499 = tpu.vector_load %arg9[%get3A_497, %get3A_498] {strides = array<i32>} : memref<8x128xf32, #tpu.memory_space<vmem>>, vector<1x16xf32>,
    %get3A_500 = vector.shape_cast %get3A_499 : vector<1x16xf32> to vector<16xf32>
    %add3A_501 = arith.addf %get3A_495, %get3A_500 : vector<16xf32>
    %mul3A_502 = arith.constant 5.000000e-01 : f32
    %mul3A_503 = vector.broadcast %mul3A_502 : f32 to vector<16xf32>
    %mul3A_504 = arith.mulf %add3A_501, %mul3A_503 : vector<16xf32>
    %swap3A_505 = arith.constant 3 : i32
    %swap3A_506 = arith.index_cast %swap3A_505 : i32 to index
    %swap3A_507 = arith.constant 0 : index
    %swap3A_508 = tpu.vector_load %arg10[%swap3A_506, %swap3A_507] {strides = array<i32>} : memref<8x128xf32, #tpu.memory_space<vmem>>, vector<1x16xf32>,
    %swap3A_509 = vector.shape_cast %swap3A_508 : vector<1x16xf32> to vector<16xf32>
    %swap3A_510 = vector.shape_cast %mul3A_504 : vector<16xf32> to vector<1x16xf32>
    tpu.vector_store %arg10[%swap3A_506, %swap3A_507], %swap3A_510 {strides = array<i32>} : memref<8x128xf32, #tpu.memory_space<vmem>>, vector<1x16xf32>,
    %get3A_511 = arith.constant 3 : i32
    %get3A_512 = arith.index_cast %get3A_511 : i32 to index
    %get3A_513 = arith.constant 16 : index
    %get3A_514 = tpu.vector_load %arg8[%get3A_512, %get3A_513] {strides = array<i32>} : memref<8x128xf32, #tpu.memory_space<vmem>>, vector<1x16xf32>,
    %get3A_515 = vector.shape_cast %get3A_514 : vector<1x16xf32> to vector<16xf32>
    %get3A_516 = arith.constant 3 : i32
    %get3A_517 = arith.index_cast %get3A_516 : i32 to index
    %get3A_518 = arith.constant 16 : index
    %get3A_519 = tpu.vector_load %arg9[%get3A_517, %get3A_518] {strides = array<i32>} : memref<8x128xf32, #tpu.memory_space<vmem>>, vector<1x16xf32>,
    %get3A_520 = vector.shape_cast %get3A_519 : vector<1x16xf32> to vector<16xf32>
    %add3A_521 = arith.addf %get3A_515, %get3A_520 : vector<16xf32>
    %mul3A_522 = arith.constant 5.000000e-01 : f32
    %mul3A_523 = vector.broadcast %mul3A_522 : f32 to vector<16xf32>
    %mul3A_524 = arith.mulf %add3A_521, %mul3A_523 : vector<16xf32>
    %swap3A_525 = arith.constant 3 : i32
    %swap3A_526 = arith.index_cast %swap3A_525 : i32 to index
    %swap3A_527 = arith.constant 16 : index
    %swap3A_528 = tpu.vector_load %arg10[%swap3A_526, %swap3A_527] {strides = array<i32>} : memref<8x128xf32, #tpu.memory_space<vmem>>, vector<1x16xf32>,
    %swap3A_529 = vector.shape_cast %swap3A_528 : vector<1x16xf32> to vector<16xf32>
    %swap3A_530 = vector.shape_cast %mul3A_524 : vector<16xf32> to vector<1x16xf32>
    tpu.vector_store %arg10[%swap3A_526, %swap3A_527], %swap3A_530 {strides = array<i32>} : memref<8x128xf32, #tpu.memory_space<vmem>>, vector<1x16xf32>,
    %get3A_531 = arith.constant 3 : i32
    %get3A_532 = arith.index_cast %get3A_531 : i32 to index
    %get3A_533 = arith.constant 32 : index
    %get3A_534 = tpu.vector_load %arg8[%get3A_532, %get3A_533] {strides = array<i32>} : memref<8x128xf32, #tpu.memory_space<vmem>>, vector<1x16xf32>,
    %get3A_535 = vector.shape_cast %get3A_534 : vector<1x16xf32> to vector<16xf32>
    %get3A_536 = arith.constant 3 : i32
    %get3A_537 = arith.index_cast %get3A_536 : i32 to index
    %get3A_538 = arith.constant 32 : index
    %get3A_539 = tpu.vector_load %arg9[%get3A_537, %get3A_538] {strides = array<i32>} : memref<8x128xf32, #tpu.memory_space<vmem>>, vector<1x16xf32>,
    %get3A_540 = vector.shape_cast %get3A_539 : vector<1x16xf32> to vector<16xf32>
    %add3A_541 = arith.addf %get3A_535, %get3A_540 : vector<16xf32>
    %mul3A_542 = arith.constant 5.000000e-01 : f32
    %mul3A_543 = vector.broadcast %mul3A_542 : f32 to vector<16xf32>
    %mul3A_544 = arith.mulf %add3A_541, %mul3A_543 : vector<16xf32>
    %swap3A_545 = arith.constant 3 : i32
    %swap3A_546 = arith.index_cast %swap3A_545 : i32 to index
    %swap3A_547 = arith.constant 32 : index
    %swap3A_548 = tpu.vector_load %arg10[%swap3A_546, %swap3A_547] {strides = array<i32>} : memref<8x128xf32, #tpu.memory_space<vmem>>, vector<1x16xf32>,
    %swap3A_549 = vector.shape_cast %swap3A_548 : vector<1x16xf32> to vector<16xf32>
    %swap3A_550 = vector.shape_cast %mul3A_544 : vector<16xf32> to vector<1x16xf32>
    tpu.vector_store %arg10[%swap3A_546, %swap3A_547], %swap3A_550 {strides = array<i32>} : memref<8x128xf32, #tpu.memory_space<vmem>>, vector<1x16xf32>,
    %get3A_551 = arith.constant 3 : i32
    %get3A_552 = arith.index_cast %get3A_551 : i32 to index
    %get3A_553 = arith.constant 48 : index
    %get3A_554 = tpu.vector_load %arg8[%get3A_552, %get3A_553] {strides = array<i32>} : memref<8x128xf32, #tpu.memory_space<vmem>>, vector<1x16xf32>,
    %get3A_555 = vector.shape_cast %get3A_554 : vector<1x16xf32> to vector<16xf32>
    %get3A_556 = arith.constant 3 : i32
    %get3A_557 = arith.index_cast %get3A_556 : i32 to index
    %get3A_558 = arith.constant 48 : index
    %get3A_559 = tpu.vector_load %arg9[%get3A_557, %get3A_558] {strides = array<i32>} : memref<8x128xf32, #tpu.memory_space<vmem>>, vector<1x16xf32>,
    %get3A_560 = vector.shape_cast %get3A_559 : vector<1x16xf32> to vector<16xf32>
    %add3A_561 = arith.addf %get3A_555, %get3A_560 : vector<16xf32>
    %mul3A_562 = arith.constant 5.000000e-01 : f32
    %mul3A_563 = vector.broadcast %mul3A_562 : f32 to vector<16xf32>
    %mul3A_564 = arith.mulf %add3A_561, %mul3A_563 : vector<16xf32>
    %swap3A_565 = arith.constant 3 : i32
    %swap3A_566 = arith.index_cast %swap3A_565 : i32 to index
    %swap3A_567 = arith.constant 48 : index
    %swap3A_568 = tpu.vector_load %arg10[%swap3A_566, %swap3A_567] {strides = array<i32>} : memref<8x128xf32, #tpu.memory_space<vmem>>, vector<1x16xf32>,
    %swap3A_569 = vector.shape_cast %swap3A_568 : vector<1x16xf32> to vector<16xf32>
    %swap3A_570 = vector.shape_cast %mul3A_564 : vector<16xf32> to vector<1x16xf32>
    tpu.vector_store %arg10[%swap3A_566, %swap3A_567], %swap3A_570 {strides = array<i32>} : memref<8x128xf32, #tpu.memory_space<vmem>>, vector<1x16xf32>,
    %get3A_571 = arith.constant 3 : i32
    %get3A_572 = arith.index_cast %get3A_571 : i32 to index
    %get3A_573 = arith.constant 64 : index
    %get3A_574 = tpu.vector_load %arg8[%get3A_572, %get3A_573] {strides = array<i32>} : memref<8x128xf32, #tpu.memory_space<vmem>>, vector<1x16xf32>,
    %get3A_575 = vector.shape_cast %get3A_574 : vector<1x16xf32> to vector<16xf32>
    %get3A_576 = arith.constant 3 : i32
    %get3A_577 = arith.index_cast %get3A_576 : i32 to index
    %get3A_578 = arith.constant 64 : index
    %get3A_579 = tpu.vector_load %arg9[%get3A_577, %get3A_578] {strides = array<i32>} : memref<8x128xf32, #tpu.memory_space<vmem>>, vector<1x16xf32>,
    %get3A_580 = vector.shape_cast %get3A_579 : vector<1x16xf32> to vector<16xf32>
    %add3A_581 = arith.addf %get3A_575, %get3A_580 : vector<16xf32>
    %mul3A_582 = arith.constant 5.000000e-01 : f32
    %mul3A_583 = vector.broadcast %mul3A_582 : f32 to vector<16xf32>
    %mul3A_584 = arith.mulf %add3A_581, %mul3A_583 : vector<16xf32>
    %swap3A_585 = arith.constant 3 : i32
    %swap3A_586 = arith.index_cast %swap3A_585 : i32 to index
    %swap3A_587 = arith.constant 64 : index
    %swap3A_588 = tpu.vector_load %arg10[%swap3A_586, %swap3A_587] {strides = array<i32>} : memref<8x128xf32, #tpu.memory_space<vmem>>, vector<1x16xf32>,
    %swap3A_589 = vector.shape_cast %swap3A_588 : vector<1x16xf32> to vector<16xf32>
    %swap3A_590 = vector.shape_cast %mul3A_584 : vector<16xf32> to vector<1x16xf32>
    tpu.vector_store %arg10[%swap3A_586, %swap3A_587], %swap3A_590 {strides = array<i32>} : memref<8x128xf32, #tpu.memory_space<vmem>>, vector<1x16xf32>,
    %get3A_591 = arith.constant 3 : i32
    %get3A_592 = arith.index_cast %get3A_591 : i32 to index
    %get3A_593 = arith.constant 80 : index
    %get3A_594 = tpu.vector_load %arg8[%get3A_592, %get3A_593] {strides = array<i32>} : memref<8x128xf32, #tpu.memory_space<vmem>>, vector<1x16xf32>,
    %get3A_595 = vector.shape_cast %get3A_594 : vector<1x16xf32> to vector<16xf32>
    %get3A_596 = arith.constant 3 : i32
    %get3A_597 = arith.index_cast %get3A_596 : i32 to index
    %get3A_598 = arith.constant 80 : index
    %get3A_599 = tpu.vector_load %arg9[%get3A_597, %get3A_598] {strides = array<i32>} : memref<8x128xf32, #tpu.memory_space<vmem>>, vector<1x16xf32>,
    %get3A_600 = vector.shape_cast %get3A_599 : vector<1x16xf32> to vector<16xf32>
    %add3A_601 = arith.addf %get3A_595, %get3A_600 : vector<16xf32>
    %mul3A_602 = arith.constant 5.000000e-01 : f32
    %mul3A_603 = vector.broadcast %mul3A_602 : f32 to vector<16xf32>
    %mul3A_604 = arith.mulf %add3A_601, %mul3A_603 : vector<16xf32>
    %swap3A_605 = arith.constant 3 : i32
    %swap3A_606 = arith.index_cast %swap3A_605 : i32 to index
    %swap3A_607 = arith.constant 80 : index
    %swap3A_608 = tpu.vector_load %arg10[%swap3A_606, %swap3A_607] {strides = array<i32>} : memref<8x128xf32, #tpu.memory_space<vmem>>, vector<1x16xf32>,
    %swap3A_609 = vector.shape_cast %swap3A_608 : vector<1x16xf32> to vector<16xf32>
    %swap3A_610 = vector.shape_cast %mul3A_604 : vector<16xf32> to vector<1x16xf32>
    tpu.vector_store %arg10[%swap3A_606, %swap3A_607], %swap3A_610 {strides = array<i32>} : memref<8x128xf32, #tpu.memory_space<vmem>>, vector<1x16xf32>,
    %get3A_611 = arith.constant 3 : i32
    %get3A_612 = arith.index_cast %get3A_611 : i32 to index
    %get3A_613 = arith.constant 96 : index
    %get3A_614 = tpu.vector_load %arg8[%get3A_612, %get3A_613] {strides = array<i32>} : memref<8x128xf32, #tpu.memory_space<vmem>>, vector<1x16xf32>,
    %get3A_615 = vector.shape_cast %get3A_614 : vector<1x16xf32> to vector<16xf32>
    %get3A_616 = arith.constant 3 : i32
    %get3A_617 = arith.index_cast %get3A_616 : i32 to index
    %get3A_618 = arith.constant 96 : index
    %get3A_619 = tpu.vector_load %arg9[%get3A_617, %get3A_618] {strides = array<i32>} : memref<8x128xf32, #tpu.memory_space<vmem>>, vector<1x16xf32>,
    %get3A_620 = vector.shape_cast %get3A_619 : vector<1x16xf32> to vector<16xf32>
    %add3A_621 = arith.addf %get3A_615, %get3A_620 : vector<16xf32>
    %mul3A_622 = arith.constant 5.000000e-01 : f32
    %mul3A_623 = vector.broadcast %mul3A_622 : f32 to vector<16xf32>
    %mul3A_624 = arith.mulf %add3A_621, %mul3A_623 : vector<16xf32>
    %swap3A_625 = arith.constant 3 : i32
    %swap3A_626 = arith.index_cast %swap3A_625 : i32 to index
    %swap3A_627 = arith.constant 96 : index
    %swap3A_628 = tpu.vector_load %arg10[%swap3A_626, %swap3A_627] {strides = array<i32>} : memref<8x128xf32, #tpu.memory_space<vmem>>, vector<1x16xf32>,
    %swap3A_629 = vector.shape_cast %swap3A_628 : vector<1x16xf32> to vector<16xf32>
    %swap3A_630 = vector.shape_cast %mul3A_624 : vector<16xf32> to vector<1x16xf32>
    tpu.vector_store %arg10[%swap3A_626, %swap3A_627], %swap3A_630 {strides = array<i32>} : memref<8x128xf32, #tpu.memory_space<vmem>>, vector<1x16xf32>,
    %get3A_631 = arith.constant 3 : i32
    %get3A_632 = arith.index_cast %get3A_631 : i32 to index
    %get3A_633 = arith.constant 112 : index
    %get3A_634 = tpu.vector_load %arg8[%get3A_632, %get3A_633] {strides = array<i32>} : memref<8x128xf32, #tpu.memory_space<vmem>>, vector<1x16xf32>,
    %get3A_635 = vector.shape_cast %get3A_634 : vector<1x16xf32> to vector<16xf32>
    %get3A_636 = arith.constant 3 : i32
    %get3A_637 = arith.index_cast %get3A_636 : i32 to index
    %get3A_638 = arith.constant 112 : index
    %get3A_639 = tpu.vector_load %arg9[%get3A_637, %get3A_638] {strides = array<i32>} : memref<8x128xf32, #tpu.memory_space<vmem>>, vector<1x16xf32>,
    %get3A_640 = vector.shape_cast %get3A_639 : vector<1x16xf32> to vector<16xf32>
    %add3A_641 = arith.addf %get3A_635, %get3A_640 : vector<16xf32>
    %mul3A_642 = arith.constant 5.000000e-01 : f32
    %mul3A_643 = vector.broadcast %mul3A_642 : f32 to vector<16xf32>
    %mul3A_644 = arith.mulf %add3A_641, %mul3A_643 : vector<16xf32>
    %swap3A_645 = arith.constant 3 : i32
    %swap3A_646 = arith.index_cast %swap3A_645 : i32 to index
    %swap3A_647 = arith.constant 112 : index
    %swap3A_648 = tpu.vector_load %arg10[%swap3A_646, %swap3A_647] {strides = array<i32>} : memref<8x128xf32, #tpu.memory_space<vmem>>, vector<1x16xf32>,
    %swap3A_649 = vector.shape_cast %swap3A_648 : vector<1x16xf32> to vector<16xf32>
    %swap3A_650 = vector.shape_cast %mul3A_644 : vector<16xf32> to vector<1x16xf32>
    tpu.vector_store %arg10[%swap3A_646, %swap3A_647], %swap3A_650 {strides = array<i32>} : memref<8x128xf32, #tpu.memory_space<vmem>>, vector<1x16xf32>,
    %get3A_651 = arith.constant 4 : i32
    %get3A_652 = arith.index_cast %get3A_651 : i32 to index
    %get3A_653 = arith.constant 0 : index
    %get3A_654 = tpu.vector_load %arg8[%get3A_652, %get3A_653] {strides = array<i32>} : memref<8x128xf32, #tpu.memory_space<vmem>>, vector<1x16xf32>,
    %get3A_655 = vector.shape_cast %get3A_654 : vector<1x16xf32> to vector<16xf32>
    %get3A_656 = arith.constant 4 : i32
    %get3A_657 = arith.index_cast %get3A_656 : i32 to index
    %get3A_658 = arith.constant 0 : index
    %get3A_659 = tpu.vector_load %arg9[%get3A_657, %get3A_658] {strides = array<i32>} : memref<8x128xf32, #tpu.memory_space<vmem>>, vector<1x16xf32>,
    %get3A_660 = vector.shape_cast %get3A_659 : vector<1x16xf32> to vector<16xf32>
    %add3A_661 = arith.addf %get3A_655, %get3A_660 : vector<16xf32>
    %mul3A_662 = arith.constant 5.000000e-01 : f32
    %mul3A_663 = vector.broadcast %mul3A_662 : f32 to vector<16xf32>
    %mul3A_664 = arith.mulf %add3A_661, %mul3A_663 : vector<16xf32>
    %swap3A_665 = arith.constant 4 : i32
    %swap3A_666 = arith.index_cast %swap3A_665 : i32 to index
    %swap3A_667 = arith.constant 0 : index
    %swap3A_668 = tpu.vector_load %arg10[%swap3A_666, %swap3A_667] {strides = array<i32>} : memref<8x128xf32, #tpu.memory_space<vmem>>, vector<1x16xf32>,
    %swap3A_669 = vector.shape_cast %swap3A_668 : vector<1x16xf32> to vector<16xf32>
    %swap3A_670 = vector.shape_cast %mul3A_664 : vector<16xf32> to vector<1x16xf32>
    tpu.vector_store %arg10[%swap3A_666, %swap3A_667], %swap3A_670 {strides = array<i32>} : memref<8x128xf32, #tpu.memory_space<vmem>>, vector<1x16xf32>,
    %get3A_671 = arith.constant 4 : i32
    %get3A_672 = arith.index_cast %get3A_671 : i32 to index
    %get3A_673 = arith.constant 16 : index
    %get3A_674 = tpu.vector_load %arg8[%get3A_672, %get3A_673] {strides = array<i32>} : memref<8x128xf32, #tpu.memory_space<vmem>>, vector<1x16xf32>,
    %get3A_675 = vector.shape_cast %get3A_674 : vector<1x16xf32> to vector<16xf32>
    %get3A_676 = arith.constant 4 : i32
    %get3A_677 = arith.index_cast %get3A_676 : i32 to index
    %get3A_678 = arith.constant 16 : index
    %get3A_679 = tpu.vector_load %arg9[%get3A_677, %get3A_678] {strides = array<i32>} : memref<8x128xf32, #tpu.memory_space<vmem>>, vector<1x16xf32>,
    %get3A_680 = vector.shape_cast %get3A_679 : vector<1x16xf32> to vector<16xf32>
    %add3A_681 = arith.addf %get3A_675, %get3A_680 : vector<16xf32>
    %mul3A_682 = arith.constant 5.000000e-01 : f32
    %mul3A_683 = vector.broadcast %mul3A_682 : f32 to vector<16xf32>
    %mul3A_684 = arith.mulf %add3A_681, %mul3A_683 : vector<16xf32>
    %swap3A_685 = arith.constant 4 : i32
    %swap3A_686 = arith.index_cast %swap3A_685 : i32 to index
    %swap3A_687 = arith.constant 16 : index
    %swap3A_688 = tpu.vector_load %arg10[%swap3A_686, %swap3A_687] {strides = array<i32>} : memref<8x128xf32, #tpu.memory_space<vmem>>, vector<1x16xf32>,
    %swap3A_689 = vector.shape_cast %swap3A_688 : vector<1x16xf32> to vector<16xf32>
    %swap3A_690 = vector.shape_cast %mul3A_684 : vector<16xf32> to vector<1x16xf32>
    tpu.vector_store %arg10[%swap3A_686, %swap3A_687], %swap3A_690 {strides = array<i32>} : memref<8x128xf32, #tpu.memory_space<vmem>>, vector<1x16xf32>,
    %get3A_691 = arith.constant 4 : i32
    %get3A_692 = arith.index_cast %get3A_691 : i32 to index
    %get3A_693 = arith.constant 32 : index
    %get3A_694 = tpu.vector_load %arg8[%get3A_692, %get3A_693] {strides = array<i32>} : memref<8x128xf32, #tpu.memory_space<vmem>>, vector<1x16xf32>,
    %get3A_695 = vector.shape_cast %get3A_694 : vector<1x16xf32> to vector<16xf32>
    %get3A_696 = arith.constant 4 : i32
    %get3A_697 = arith.index_cast %get3A_696 : i32 to index
    %get3A_698 = arith.constant 32 : index
    %get3A_699 = tpu.vector_load %arg9[%get3A_697, %get3A_698] {strides = array<i32>} : memref<8x128xf32, #tpu.memory_space<vmem>>, vector<1x16xf32>,
    %get3A_700 = vector.shape_cast %get3A_699 : vector<1x16xf32> to vector<16xf32>
    %add3A_701 = arith.addf %get3A_695, %get3A_700 : vector<16xf32>
    %mul3A_702 = arith.constant 5.000000e-01 : f32
    %mul3A_703 = vector.broadcast %mul3A_702 : f32 to vector<16xf32>
    %mul3A_704 = arith.mulf %add3A_701, %mul3A_703 : vector<16xf32>
    %swap3A_705 = arith.constant 4 : i32
    %swap3A_706 = arith.index_cast %swap3A_705 : i32 to index
    %swap3A_707 = arith.constant 32 : index
    %swap3A_708 = tpu.vector_load %arg10[%swap3A_706, %swap3A_707] {strides = array<i32>} : memref<8x128xf32, #tpu.memory_space<vmem>>, vector<1x16xf32>,
    %swap3A_709 = vector.shape_cast %swap3A_708 : vector<1x16xf32> to vector<16xf32>
    %swap3A_710 = vector.shape_cast %mul3A_704 : vector<16xf32> to vector<1x16xf32>
    tpu.vector_store %arg10[%swap3A_706, %swap3A_707], %swap3A_710 {strides = array<i32>} : memref<8x128xf32, #tpu.memory_space<vmem>>, vector<1x16xf32>,
    %get3A_711 = arith.constant 4 : i32
    %get3A_712 = arith.index_cast %get3A_711 : i32 to index
    %get3A_713 = arith.constant 48 : index
    %get3A_714 = tpu.vector_load %arg8[%get3A_712, %get3A_713] {strides = array<i32>} : memref<8x128xf32, #tpu.memory_space<vmem>>, vector<1x16xf32>,
    %get3A_715 = vector.shape_cast %get3A_714 : vector<1x16xf32> to vector<16xf32>
    %get3A_716 = arith.constant 4 : i32
    %get3A_717 = arith.index_cast %get3A_716 : i32 to index
    %get3A_718 = arith.constant 48 : index
    %get3A_719 = tpu.vector_load %arg9[%get3A_717, %get3A_718] {strides = array<i32>} : memref<8x128xf32, #tpu.memory_space<vmem>>, vector<1x16xf32>,
    %get3A_720 = vector.shape_cast %get3A_719 : vector<1x16xf32> to vector<16xf32>
    %add3A_721 = arith.addf %get3A_715, %get3A_720 : vector<16xf32>
    %mul3A_722 = arith.constant 5.000000e-01 : f32
    %mul3A_723 = vector.broadcast %mul3A_722 : f32 to vector<16xf32>
    %mul3A_724 = arith.mulf %add3A_721, %mul3A_723 : vector<16xf32>
    %swap3A_725 = arith.constant 4 : i32
    %swap3A_726 = arith.index_cast %swap3A_725 : i32 to index
    %swap3A_727 = arith.constant 48 : index
    %swap3A_728 = tpu.vector_load %arg10[%swap3A_726, %swap3A_727] {strides = array<i32>} : memref<8x128xf32, #tpu.memory_space<vmem>>, vector<1x16xf32>,
    %swap3A_729 = vector.shape_cast %swap3A_728 : vector<1x16xf32> to vector<16xf32>
    %swap3A_730 = vector.shape_cast %mul3A_724 : vector<16xf32> to vector<1x16xf32>
    tpu.vector_store %arg10[%swap3A_726, %swap3A_727], %swap3A_730 {strides = array<i32>} : memref<8x128xf32, #tpu.memory_space<vmem>>, vector<1x16xf32>,
    %get3A_731 = arith.constant 4 : i32
    %get3A_732 = arith.index_cast %get3A_731 : i32 to index
    %get3A_733 = arith.constant 64 : index
    %get3A_734 = tpu.vector_load %arg8[%get3A_732, %get3A_733] {strides = array<i32>} : memref<8x128xf32, #tpu.memory_space<vmem>>, vector<1x16xf32>,
    %get3A_735 = vector.shape_cast %get3A_734 : vector<1x16xf32> to vector<16xf32>
    %get3A_736 = arith.constant 4 : i32
    %get3A_737 = arith.index_cast %get3A_736 : i32 to index
    %get3A_738 = arith.constant 64 : index
    %get3A_739 = tpu.vector_load %arg9[%get3A_737, %get3A_738] {strides = array<i32>} : memref<8x128xf32, #tpu.memory_space<vmem>>, vector<1x16xf32>,
    %get3A_740 = vector.shape_cast %get3A_739 : vector<1x16xf32> to vector<16xf32>
    %add3A_741 = arith.addf %get3A_735, %get3A_740 : vector<16xf32>
    %mul3A_742 = arith.constant 5.000000e-01 : f32
    %mul3A_743 = vector.broadcast %mul3A_742 : f32 to vector<16xf32>
    %mul3A_744 = arith.mulf %add3A_741, %mul3A_743 : vector<16xf32>
    %swap3A_745 = arith.constant 4 : i32
    %swap3A_746 = arith.index_cast %swap3A_745 : i32 to index
    %swap3A_747 = arith.constant 64 : index
    %swap3A_748 = tpu.vector_load %arg10[%swap3A_746, %swap3A_747] {strides = array<i32>} : memref<8x128xf32, #tpu.memory_space<vmem>>, vector<1x16xf32>,
    %swap3A_749 = vector.shape_cast %swap3A_748 : vector<1x16xf32> to vector<16xf32>
    %swap3A_750 = vector.shape_cast %mul3A_744 : vector<16xf32> to vector<1x16xf32>
    tpu.vector_store %arg10[%swap3A_746, %swap3A_747], %swap3A_750 {strides = array<i32>} : memref<8x128xf32, #tpu.memory_space<vmem>>, vector<1x16xf32>,
    %get3A_751 = arith.constant 4 : i32
    %get3A_752 = arith.index_cast %get3A_751 : i32 to index
    %get3A_753 = arith.constant 80 : index
    %get3A_754 = tpu.vector_load %arg8[%get3A_752, %get3A_753] {strides = array<i32>} : memref<8x128xf32, #tpu.memory_space<vmem>>, vector<1x16xf32>,
    %get3A_755 = vector.shape_cast %get3A_754 : vector<1x16xf32> to vector<16xf32>
    %get3A_756 = arith.constant 4 : i32
    %get3A_757 = arith.index_cast %get3A_756 : i32 to index
    %get3A_758 = arith.constant 80 : index
    %get3A_759 = tpu.vector_load %arg9[%get3A_757, %get3A_758] {strides = array<i32>} : memref<8x128xf32, #tpu.memory_space<vmem>>, vector<1x16xf32>,
    %get3A_760 = vector.shape_cast %get3A_759 : vector<1x16xf32> to vector<16xf32>
    %add3A_761 = arith.addf %get3A_755, %get3A_760 : vector<16xf32>
    %mul3A_762 = arith.constant 5.000000e-01 : f32
    %mul3A_763 = vector.broadcast %mul3A_762 : f32 to vector<16xf32>
    %mul3A_764 = arith.mulf %add3A_761, %mul3A_763 : vector<16xf32>
    %swap3A_765 = arith.constant 4 : i32
    %swap3A_766 = arith.index_cast %swap3A_765 : i32 to index
    %swap3A_767 = arith.constant 80 : index
    %swap3A_768 = tpu.vector_load %arg10[%swap3A_766, %swap3A_767] {strides = array<i32>} : memref<8x128xf32, #tpu.memory_space<vmem>>, vector<1x16xf32>,
    %swap3A_769 = vector.shape_cast %swap3A_768 : vector<1x16xf32> to vector<16xf32>
    %swap3A_770 = vector.shape_cast %mul3A_764 : vector<16xf32> to vector<1x16xf32>
    tpu.vector_store %arg10[%swap3A_766, %swap3A_767], %swap3A_770 {strides = array<i32>} : memref<8x128xf32, #tpu.memory_space<vmem>>, vector<1x16xf32>,
    %get3A_771 = arith.constant 4 : i32
    %get3A_772 = arith.index_cast %get3A_771 : i32 to index
    %get3A_773 = arith.constant 96 : index
    %get3A_774 = tpu.vector_load %arg8[%get3A_772, %get3A_773] {strides = array<i32>} : memref<8x128xf32, #tpu.memory_space<vmem>>, vector<1x16xf32>,
    %get3A_775 = vector.shape_cast %get3A_774 : vector<1x16xf32> to vector<16xf32>
    %get3A_776 = arith.constant 4 : i32
    %get3A_777 = arith.index_cast %get3A_776 : i32 to index
    %get3A_778 = arith.constant 96 : index
    %get3A_779 = tpu.vector_load %arg9[%get3A_777, %get3A_778] {strides = array<i32>} : memref<8x128xf32, #tpu.memory_space<vmem>>, vector<1x16xf32>,
    %get3A_780 = vector.shape_cast %get3A_779 : vector<1x16xf32> to vector<16xf32>
    %add3A_781 = arith.addf %get3A_775, %get3A_780 : vector<16xf32>
    %mul3A_782 = arith.constant 5.000000e-01 : f32
    %mul3A_783 = vector.broadcast %mul3A_782 : f32 to vector<16xf32>
    %mul3A_784 = arith.mulf %add3A_781, %mul3A_783 : vector<16xf32>
    %swap3A_785 = arith.constant 4 : i32
    %swap3A_786 = arith.index_cast %swap3A_785 : i32 to index
    %swap3A_787 = arith.constant 96 : index
    %swap3A_788 = tpu.vector_load %arg10[%swap3A_786, %swap3A_787] {strides = array<i32>} : memref<8x128xf32, #tpu.memory_space<vmem>>, vector<1x16xf32>,
    %swap3A_789 = vector.shape_cast %swap3A_788 : vector<1x16xf32> to vector<16xf32>
    %swap3A_790 = vector.shape_cast %mul3A_784 : vector<16xf32> to vector<1x16xf32>
    tpu.vector_store %arg10[%swap3A_786, %swap3A_787], %swap3A_790 {strides = array<i32>} : memref<8x128xf32, #tpu.memory_space<vmem>>, vector<1x16xf32>,
    %get3A_791 = arith.constant 4 : i32
    %get3A_792 = arith.index_cast %get3A_791 : i32 to index
    %get3A_793 = arith.constant 112 : index
    %get3A_794 = tpu.vector_load %arg8[%get3A_792, %get3A_793] {strides = array<i32>} : memref<8x128xf32, #tpu.memory_space<vmem>>, vector<1x16xf32>,
    %get3A_795 = vector.shape_cast %get3A_794 : vector<1x16xf32> to vector<16xf32>
    %get3A_796 = arith.constant 4 : i32
    %get3A_797 = arith.index_cast %get3A_796 : i32 to index
    %get3A_798 = arith.constant 112 : index
    %get3A_799 = tpu.vector_load %arg9[%get3A_797, %get3A_798] {strides = array<i32>} : memref<8x128xf32, #tpu.memory_space<vmem>>, vector<1x16xf32>,
    %get3A_800 = vector.shape_cast %get3A_799 : vector<1x16xf32> to vector<16xf32>
    %add3A_801 = arith.addf %get3A_795, %get3A_800 : vector<16xf32>
    %mul3A_802 = arith.constant 5.000000e-01 : f32
    %mul3A_803 = vector.broadcast %mul3A_802 : f32 to vector<16xf32>
    %mul3A_804 = arith.mulf %add3A_801, %mul3A_803 : vector<16xf32>
    %swap3A_805 = arith.constant 4 : i32
    %swap3A_806 = arith.index_cast %swap3A_805 : i32 to index
    %swap3A_807 = arith.constant 112 : index
    %swap3A_808 = tpu.vector_load %arg10[%swap3A_806, %swap3A_807] {strides = array<i32>} : memref<8x128xf32, #tpu.memory_space<vmem>>, vector<1x16xf32>,
    %swap3A_809 = vector.shape_cast %swap3A_808 : vector<1x16xf32> to vector<16xf32>
    %swap3A_810 = vector.shape_cast %mul3A_804 : vector<16xf32> to vector<1x16xf32>
    tpu.vector_store %arg10[%swap3A_806, %swap3A_807], %swap3A_810 {strides = array<i32>} : memref<8x128xf32, #tpu.memory_space<vmem>>, vector<1x16xf32>,
    %get3A_811 = arith.constant 5 : i32
    %get3A_812 = arith.index_cast %get3A_811 : i32 to index
    %get3A_813 = arith.constant 0 : index
    %get3A_814 = tpu.vector_load %arg8[%get3A_812, %get3A_813] {strides = array<i32>} : memref<8x128xf32, #tpu.memory_space<vmem>>, vector<1x16xf32>,
    %get3A_815 = vector.shape_cast %get3A_814 : vector<1x16xf32> to vector<16xf32>
    %get3A_816 = arith.constant 5 : i32
    %get3A_817 = arith.index_cast %get3A_816 : i32 to index
    %get3A_818 = arith.constant 0 : index
    %get3A_819 = tpu.vector_load %arg9[%get3A_817, %get3A_818] {strides = array<i32>} : memref<8x128xf32, #tpu.memory_space<vmem>>, vector<1x16xf32>,
    %get3A_820 = vector.shape_cast %get3A_819 : vector<1x16xf32> to vector<16xf32>
    %add3A_821 = arith.addf %get3A_815, %get3A_820 : vector<16xf32>
    %mul3A_822 = arith.constant 5.000000e-01 : f32
    %mul3A_823 = vector.broadcast %mul3A_822 : f32 to vector<16xf32>
    %mul3A_824 = arith.mulf %add3A_821, %mul3A_823 : vector<16xf32>
    %swap3A_825 = arith.constant 5 : i32
    %swap3A_826 = arith.index_cast %swap3A_825 : i32 to index
    %swap3A_827 = arith.constant 0 : index
    %swap3A_828 = tpu.vector_load %arg10[%swap3A_826, %swap3A_827] {strides = array<i32>} : memref<8x128xf32, #tpu.memory_space<vmem>>, vector<1x16xf32>,
    %swap3A_829 = vector.shape_cast %swap3A_828 : vector<1x16xf32> to vector<16xf32>
    %swap3A_830 = vector.shape_cast %mul3A_824 : vector<16xf32> to vector<1x16xf32>
    tpu.vector_store %arg10[%swap3A_826, %swap3A_827], %swap3A_830 {strides = array<i32>} : memref<8x128xf32, #tpu.memory_space<vmem>>, vector<1x16xf32>,
    %get3A_831 = arith.constant 5 : i32
    %get3A_832 = arith.index_cast %get3A_831 : i32 to index
    %get3A_833 = arith.constant 16 : index
    %get3A_834 = tpu.vector_load %arg8[%get3A_832, %get3A_833] {strides = array<i32>} : memref<8x128xf32, #tpu.memory_space<vmem>>, vector<1x16xf32>,
    %get3A_835 = vector.shape_cast %get3A_834 : vector<1x16xf32> to vector<16xf32>
    %get3A_836 = arith.constant 5 : i32
    %get3A_837 = arith.index_cast %get3A_836 : i32 to index
    %get3A_838 = arith.constant 16 : index
    %get3A_839 = tpu.vector_load %arg9[%get3A_837, %get3A_838] {strides = array<i32>} : memref<8x128xf32, #tpu.memory_space<vmem>>, vector<1x16xf32>,
    %get3A_840 = vector.shape_cast %get3A_839 : vector<1x16xf32> to vector<16xf32>
    %add3A_841 = arith.addf %get3A_835, %get3A_840 : vector<16xf32>
    %mul3A_842 = arith.constant 5.000000e-01 : f32
    %mul3A_843 = vector.broadcast %mul3A_842 : f32 to vector<16xf32>
    %mul3A_844 = arith.mulf %add3A_841, %mul3A_843 : vector<16xf32>
    %swap3A_845 = arith.constant 5 : i32
    %swap3A_846 = arith.index_cast %swap3A_845 : i32 to index
    %swap3A_847 = arith.constant 16 : index
    %swap3A_848 = tpu.vector_load %arg10[%swap3A_846, %swap3A_847] {strides = array<i32>} : memref<8x128xf32, #tpu.memory_space<vmem>>, vector<1x16xf32>,
    %swap3A_849 = vector.shape_cast %swap3A_848 : vector<1x16xf32> to vector<16xf32>
    %swap3A_850 = vector.shape_cast %mul3A_844 : vector<16xf32> to vector<1x16xf32>
    tpu.vector_store %arg10[%swap3A_846, %swap3A_847], %swap3A_850 {strides = array<i32>} : memref<8x128xf32, #tpu.memory_space<vmem>>, vector<1x16xf32>,
    %get3A_851 = arith.constant 5 : i32
    %get3A_852 = arith.index_cast %get3A_851 : i32 to index
    %get3A_853 = arith.constant 32 : index
    %get3A_854 = tpu.vector_load %arg8[%get3A_852, %get3A_853] {strides = array<i32>} : memref<8x128xf32, #tpu.memory_space<vmem>>, vector<1x16xf32>,
    %get3A_855 = vector.shape_cast %get3A_854 : vector<1x16xf32> to vector<16xf32>
    %get3A_856 = arith.constant 5 : i32
    %get3A_857 = arith.index_cast %get3A_856 : i32 to index
    %get3A_858 = arith.constant 32 : index
    %get3A_859 = tpu.vector_load %arg9[%get3A_857, %get3A_858] {strides = array<i32>} : memref<8x128xf32, #tpu.memory_space<vmem>>, vector<1x16xf32>,
    %get3A_860 = vector.shape_cast %get3A_859 : vector<1x16xf32> to vector<16xf32>
    %add3A_861 = arith.addf %get3A_855, %get3A_860 : vector<16xf32>
    %mul3A_862 = arith.constant 5.000000e-01 : f32
    %mul3A_863 = vector.broadcast %mul3A_862 : f32 to vector<16xf32>
    %mul3A_864 = arith.mulf %add3A_861, %mul3A_863 : vector<16xf32>
    %swap3A_865 = arith.constant 5 : i32
    %swap3A_866 = arith.index_cast %swap3A_865 : i32 to index
    %swap3A_867 = arith.constant 32 : index
    %swap3A_868 = tpu.vector_load %arg10[%swap3A_866, %swap3A_867] {strides = array<i32>} : memref<8x128xf32, #tpu.memory_space<vmem>>, vector<1x16xf32>,
    %swap3A_869 = vector.shape_cast %swap3A_868 : vector<1x16xf32> to vector<16xf32>
    %swap3A_870 = vector.shape_cast %mul3A_864 : vector<16xf32> to vector<1x16xf32>
    tpu.vector_store %arg10[%swap3A_866, %swap3A_867], %swap3A_870 {strides = array<i32>} : memref<8x128xf32, #tpu.memory_space<vmem>>, vector<1x16xf32>,
    %get3A_871 = arith.constant 5 : i32
    %get3A_872 = arith.index_cast %get3A_871 : i32 to index
    %get3A_873 = arith.constant 48 : index
    %get3A_874 = tpu.vector_load %arg8[%get3A_872, %get3A_873] {strides = array<i32>} : memref<8x128xf32, #tpu.memory_space<vmem>>, vector<1x16xf32>,
    %get3A_875 = vector.shape_cast %get3A_874 : vector<1x16xf32> to vector<16xf32>
    %get3A_876 = arith.constant 5 : i32
    %get3A_877 = arith.index_cast %get3A_876 : i32 to index
    %get3A_878 = arith.constant 48 : index
    %get3A_879 = tpu.vector_load %arg9[%get3A_877, %get3A_878] {strides = array<i32>} : memref<8x128xf32, #tpu.memory_space<vmem>>, vector<1x16xf32>,
    %get3A_880 = vector.shape_cast %get3A_879 : vector<1x16xf32> to vector<16xf32>
    %add3A_881 = arith.addf %get3A_875, %get3A_880 : vector<16xf32>
    %mul3A_882 = arith.constant 5.000000e-01 : f32
    %mul3A_883 = vector.broadcast %mul3A_882 : f32 to vector<16xf32>
    %mul3A_884 = arith.mulf %add3A_881, %mul3A_883 : vector<16xf32>
    %swap3A_885 = arith.constant 5 : i32
    %swap3A_886 = arith.index_cast %swap3A_885 : i32 to index
    %swap3A_887 = arith.constant 48 : index
    %swap3A_888 = tpu.vector_load %arg10[%swap3A_886, %swap3A_887] {strides = array<i32>} : memref<8x128xf32, #tpu.memory_space<vmem>>, vector<1x16xf32>,
    %swap3A_889 = vector.shape_cast %swap3A_888 : vector<1x16xf32> to vector<16xf32>
    %swap3A_890 = vector.shape_cast %mul3A_884 : vector<16xf32> to vector<1x16xf32>
    tpu.vector_store %arg10[%swap3A_886, %swap3A_887], %swap3A_890 {strides = array<i32>} : memref<8x128xf32, #tpu.memory_space<vmem>>, vector<1x16xf32>,
    %get3A_891 = arith.constant 5 : i32
    %get3A_892 = arith.index_cast %get3A_891 : i32 to index
    %get3A_893 = arith.constant 64 : index
    %get3A_894 = tpu.vector_load %arg8[%get3A_892, %get3A_893] {strides = array<i32>} : memref<8x128xf32, #tpu.memory_space<vmem>>, vector<1x16xf32>,
    %get3A_895 = vector.shape_cast %get3A_894 : vector<1x16xf32> to vector<16xf32>
    %get3A_896 = arith.constant 5 : i32
    %get3A_897 = arith.index_cast %get3A_896 : i32 to index
    %get3A_898 = arith.constant 64 : index
    %get3A_899 = tpu.vector_load %arg9[%get3A_897, %get3A_898] {strides = array<i32>} : memref<8x128xf32, #tpu.memory_space<vmem>>, vector<1x16xf32>,
    %get3A_900 = vector.shape_cast %get3A_899 : vector<1x16xf32> to vector<16xf32>
    %add3A_901 = arith.addf %get3A_895, %get3A_900 : vector<16xf32>
    %mul3A_902 = arith.constant 5.000000e-01 : f32
    %mul3A_903 = vector.broadcast %mul3A_902 : f32 to vector<16xf32>
    %mul3A_904 = arith.mulf %add3A_901, %mul3A_903 : vector<16xf32>
    %swap3A_905 = arith.constant 5 : i32
    %swap3A_906 = arith.index_cast %swap3A_905 : i32 to index
    %swap3A_907 = arith.constant 64 : index
    %swap3A_908 = tpu.vector_load %arg10[%swap3A_906, %swap3A_907] {strides = array<i32>} : memref<8x128xf32, #tpu.memory_space<vmem>>, vector<1x16xf32>,
    %swap3A_909 = vector.shape_cast %swap3A_908 : vector<1x16xf32> to vector<16xf32>
    %swap3A_910 = vector.shape_cast %mul3A_904 : vector<16xf32> to vector<1x16xf32>
    tpu.vector_store %arg10[%swap3A_906, %swap3A_907], %swap3A_910 {strides = array<i32>} : memref<8x128xf32, #tpu.memory_space<vmem>>, vector<1x16xf32>,
    %get3A_911 = arith.constant 5 : i32
    %get3A_912 = arith.index_cast %get3A_911 : i32 to index
    %get3A_913 = arith.constant 80 : index
    %get3A_914 = tpu.vector_load %arg8[%get3A_912, %get3A_913] {strides = array<i32>} : memref<8x128xf32, #tpu.memory_space<vmem>>, vector<1x16xf32>,
    %get3A_915 = vector.shape_cast %get3A_914 : vector<1x16xf32> to vector<16xf32>
    %get3A_916 = arith.constant 5 : i32
    %get3A_917 = arith.index_cast %get3A_916 : i32 to index
    %get3A_918 = arith.constant 80 : index
    %get3A_919 = tpu.vector_load %arg9[%get3A_917, %get3A_918] {strides = array<i32>} : memref<8x128xf32, #tpu.memory_space<vmem>>, vector<1x16xf32>,
    %get3A_920 = vector.shape_cast %get3A_919 : vector<1x16xf32> to vector<16xf32>
    %add3A_921 = arith.addf %get3A_915, %get3A_920 : vector<16xf32>
    %mul3A_922 = arith.constant 5.000000e-01 : f32
    %mul3A_923 = vector.broadcast %mul3A_922 : f32 to vector<16xf32>
    %mul3A_924 = arith.mulf %add3A_921, %mul3A_923 : vector<16xf32>
    %swap3A_925 = arith.constant 5 : i32
    %swap3A_926 = arith.index_cast %swap3A_925 : i32 to index
    %swap3A_927 = arith.constant 80 : index
    %swap3A_928 = tpu.vector_load %arg10[%swap3A_926, %swap3A_927] {strides = array<i32>} : memref<8x128xf32, #tpu.memory_space<vmem>>, vector<1x16xf32>,
    %swap3A_929 = vector.shape_cast %swap3A_928 : vector<1x16xf32> to vector<16xf32>
    %swap3A_930 = vector.shape_cast %mul3A_924 : vector<16xf32> to vector<1x16xf32>
    tpu.vector_store %arg10[%swap3A_926, %swap3A_927], %swap3A_930 {strides = array<i32>} : memref<8x128xf32, #tpu.memory_space<vmem>>, vector<1x16xf32>,
    %get3A_931 = arith.constant 5 : i32
    %get3A_932 = arith.index_cast %get3A_931 : i32 to index
    %get3A_933 = arith.constant 96 : index
    %get3A_934 = tpu.vector_load %arg8[%get3A_932, %get3A_933] {strides = array<i32>} : memref<8x128xf32, #tpu.memory_space<vmem>>, vector<1x16xf32>,
    %get3A_935 = vector.shape_cast %get3A_934 : vector<1x16xf32> to vector<16xf32>
    %get3A_936 = arith.constant 5 : i32
    %get3A_937 = arith.index_cast %get3A_936 : i32 to index
    %get3A_938 = arith.constant 96 : index
    %get3A_939 = tpu.vector_load %arg9[%get3A_937, %get3A_938] {strides = array<i32>} : memref<8x128xf32, #tpu.memory_space<vmem>>, vector<1x16xf32>,
    %get3A_940 = vector.shape_cast %get3A_939 : vector<1x16xf32> to vector<16xf32>
    %add3A_941 = arith.addf %get3A_935, %get3A_940 : vector<16xf32>
    %mul3A_942 = arith.constant 5.000000e-01 : f32
    %mul3A_943 = vector.broadcast %mul3A_942 : f32 to vector<16xf32>
    %mul3A_944 = arith.mulf %add3A_941, %mul3A_943 : vector<16xf32>
    %swap3A_945 = arith.constant 5 : i32
    %swap3A_946 = arith.index_cast %swap3A_945 : i32 to index
    %swap3A_947 = arith.constant 96 : index
    %swap3A_948 = tpu.vector_load %arg10[%swap3A_946, %swap3A_947] {strides = array<i32>} : memref<8x128xf32, #tpu.memory_space<vmem>>, vector<1x16xf32>,
    %swap3A_949 = vector.shape_cast %swap3A_948 : vector<1x16xf32> to vector<16xf32>
    %swap3A_950 = vector.shape_cast %mul3A_944 : vector<16xf32> to vector<1x16xf32>
    tpu.vector_store %arg10[%swap3A_946, %swap3A_947], %swap3A_950 {strides = array<i32>} : memref<8x128xf32, #tpu.memory_space<vmem>>, vector<1x16xf32>,
    %get3A_951 = arith.constant 5 : i32
    %get3A_952 = arith.index_cast %get3A_951 : i32 to index
    %get3A_953 = arith.constant 112 : index
    %get3A_954 = tpu.vector_load %arg8[%get3A_952, %get3A_953] {strides = array<i32>} : memref<8x128xf32, #tpu.memory_space<vmem>>, vector<1x16xf32>,
    %get3A_955 = vector.shape_cast %get3A_954 : vector<1x16xf32> to vector<16xf32>
    %get3A_956 = arith.constant 5 : i32
    %get3A_957 = arith.index_cast %get3A_956 : i32 to index
    %get3A_958 = arith.constant 112 : index
    %get3A_959 = tpu.vector_load %arg9[%get3A_957, %get3A_958] {strides = array<i32>} : memref<8x128xf32, #tpu.memory_space<vmem>>, vector<1x16xf32>,
    %get3A_960 = vector.shape_cast %get3A_959 : vector<1x16xf32> to vector<16xf32>
    %add3A_961 = arith.addf %get3A_955, %get3A_960 : vector<16xf32>
    %mul3A_962 = arith.constant 5.000000e-01 : f32
    %mul3A_963 = vector.broadcast %mul3A_962 : f32 to vector<16xf32>
    %mul3A_964 = arith.mulf %add3A_961, %mul3A_963 : vector<16xf32>
    %swap3A_965 = arith.constant 5 : i32
    %swap3A_966 = arith.index_cast %swap3A_965 : i32 to index
    %swap3A_967 = arith.constant 112 : index
    %swap3A_968 = tpu.vector_load %arg10[%swap3A_966, %swap3A_967] {strides = array<i32>} : memref<8x128xf32, #tpu.memory_space<vmem>>, vector<1x16xf32>,
    %swap3A_969 = vector.shape_cast %swap3A_968 : vector<1x16xf32> to vector<16xf32>
    %swap3A_970 = vector.shape_cast %mul3A_964 : vector<16xf32> to vector<1x16xf32>
    tpu.vector_store %arg10[%swap3A_966, %swap3A_967], %swap3A_970 {strides = array<i32>} : memref<8x128xf32, #tpu.memory_space<vmem>>, vector<1x16xf32>,
    %get3A_971 = arith.constant 6 : i32
    %get3A_972 = arith.index_cast %get3A_971 : i32 to index
    %get3A_973 = arith.constant 0 : index
    %get3A_974 = tpu.vector_load %arg8[%get3A_972, %get3A_973] {strides = array<i32>} : memref<8x128xf32, #tpu.memory_space<vmem>>, vector<1x16xf32>,
    %get3A_975 = vector.shape_cast %get3A_974 : vector<1x16xf32> to vector<16xf32>
    %get3A_976 = arith.constant 6 : i32
    %get3A_977 = arith.index_cast %get3A_976 : i32 to index
    %get3A_978 = arith.constant 0 : index
    %get3A_979 = tpu.vector_load %arg9[%get3A_977, %get3A_978] {strides = array<i32>} : memref<8x128xf32, #tpu.memory_space<vmem>>, vector<1x16xf32>,
    %get3A_980 = vector.shape_cast %get3A_979 : vector<1x16xf32> to vector<16xf32>
    %add3A_981 = arith.addf %get3A_975, %get3A_980 : vector<16xf32>
    %mul3A_982 = arith.constant 5.000000e-01 : f32
    %mul3A_983 = vector.broadcast %mul3A_982 : f32 to vector<16xf32>
    %mul3A_984 = arith.mulf %add3A_981, %mul3A_983 : vector<16xf32>
    %swap3A_985 = arith.constant 6 : i32
    %swap3A_986 = arith.index_cast %swap3A_985 : i32 to index
    %swap3A_987 = arith.constant 0 : index
    %swap3A_988 = tpu.vector_load %arg10[%swap3A_986, %swap3A_987] {strides = array<i32>} : memref<8x128xf32, #tpu.memory_space<vmem>>, vector<1x16xf32>,
    %swap3A_989 = vector.shape_cast %swap3A_988 : vector<1x16xf32> to vector<16xf32>
    %swap3A_990 = vector.shape_cast %mul3A_984 : vector<16xf32> to vector<1x16xf32>
    tpu.vector_store %arg10[%swap3A_986, %swap3A_987], %swap3A_990 {strides = array<i32>} : memref<8x128xf32, #tpu.memory_space<vmem>>, vector<1x16xf32>,
    %get3A_991 = arith.constant 6 : i32
    %get3A_992 = arith.index_cast %get3A_991 : i32 to index
    %get3A_993 = arith.constant 16 : index
    %get3A_994 = tpu.vector_load %arg8[%get3A_992, %get3A_993] {strides = array<i32>} : memref<8x128xf32, #tpu.memory_space<vmem>>, vector<1x16xf32>,
    %get3A_995 = vector.shape_cast %get3A_994 : vector<1x16xf32> to vector<16xf32>
    %get3A_996 = arith.constant 6 : i32
    %get3A_997 = arith.index_cast %get3A_996 : i32 to index
    %get3A_998 = arith.constant 16 : index
    %get3A_999 = tpu.vector_load %arg9[%get3A_997, %get3A_998] {strides = array<i32>} : memref<8x128xf32, #tpu.memory_space<vmem>>, vector<1x16xf32>,
    %get3A_1000 = vector.shape_cast %get3A_999 : vector<1x16xf32> to vector<16xf32>
    %add3A_1001 = arith.addf %get3A_995, %get3A_1000 : vector<16xf32>
    %mul3A_1002 = arith.constant 5.000000e-01 : f32
    %mul3A_1003 = vector.broadcast %mul3A_1002 : f32 to vector<16xf32>
    %mul3A_1004 = arith.mulf %add3A_1001, %mul3A_1003 : vector<16xf32>
    %swap3A_1005 = arith.constant 6 : i32
    %swap3A_1006 = arith.index_cast %swap3A_1005 : i32 to index
    %swap3A_1007 = arith.constant 16 : index
    %swap3A_1008 = tpu.vector_load %arg10[%swap3A_1006, %swap3A_1007] {strides = array<i32>} : memref<8x128xf32, #tpu.memory_space<vmem>>, vector<1x16xf32>,
    %swap3A_1009 = vector.shape_cast %swap3A_1008 : vector<1x16xf32> to vector<16xf32>
    %swap3A_1010 = vector.shape_cast %mul3A_1004 : vector<16xf32> to vector<1x16xf32>
    tpu.vector_store %arg10[%swap3A_1006, %swap3A_1007], %swap3A_1010 {strides = array<i32>} : memref<8x128xf32, #tpu.memory_space<vmem>>, vector<1x16xf32>,
    %get3A_1011 = arith.constant 6 : i32
    %get3A_1012 = arith.index_cast %get3A_1011 : i32 to index
    %get3A_1013 = arith.constant 32 : index
    %get3A_1014 = tpu.vector_load %arg8[%get3A_1012, %get3A_1013] {strides = array<i32>} : memref<8x128xf32, #tpu.memory_space<vmem>>, vector<1x16xf32>,
    %get3A_1015 = vector.shape_cast %get3A_1014 : vector<1x16xf32> to vector<16xf32>
    %get3A_1016 = arith.constant 6 : i32
    %get3A_1017 = arith.index_cast %get3A_1016 : i32 to index
    %get3A_1018 = arith.constant 32 : index
    %get3A_1019 = tpu.vector_load %arg9[%get3A_1017, %get3A_1018] {strides = array<i32>} : memref<8x128xf32, #tpu.memory_space<vmem>>, vector<1x16xf32>,
    %get3A_1020 = vector.shape_cast %get3A_1019 : vector<1x16xf32> to vector<16xf32>
    %add3A_1021 = arith.addf %get3A_1015, %get3A_1020 : vector<16xf32>
    %mul3A_1022 = arith.constant 5.000000e-01 : f32
    %mul3A_1023 = vector.broadcast %mul3A_1022 : f32 to vector<16xf32>
    %mul3A_1024 = arith.mulf %add3A_1021, %mul3A_1023 : vector<16xf32>
    %swap3A_1025 = arith.constant 6 : i32
    %swap3A_1026 = arith.index_cast %swap3A_1025 : i32 to index
    %swap3A_1027 = arith.constant 32 : index
    %swap3A_1028 = tpu.vector_load %arg10[%swap3A_1026, %swap3A_1027] {strides = array<i32>} : memref<8x128xf32, #tpu.memory_space<vmem>>, vector<1x16xf32>,
    %swap3A_1029 = vector.shape_cast %swap3A_1028 : vector<1x16xf32> to vector<16xf32>
    %swap3A_1030 = vector.shape_cast %mul3A_1024 : vector<16xf32> to vector<1x16xf32>
    tpu.vector_store %arg10[%swap3A_1026, %swap3A_1027], %swap3A_1030 {strides = array<i32>} : memref<8x128xf32, #tpu.memory_space<vmem>>, vector<1x16xf32>,
    %get3A_1031 = arith.constant 6 : i32
    %get3A_1032 = arith.index_cast %get3A_1031 : i32 to index
    %get3A_1033 = arith.constant 48 : index
    %get3A_1034 = tpu.vector_load %arg8[%get3A_1032, %get3A_1033] {strides = array<i32>} : memref<8x128xf32, #tpu.memory_space<vmem>>, vector<1x16xf32>,
    %get3A_1035 = vector.shape_cast %get3A_1034 : vector<1x16xf32> to vector<16xf32>
    %get3A_1036 = arith.constant 6 : i32
    %get3A_1037 = arith.index_cast %get3A_1036 : i32 to index
    %get3A_1038 = arith.constant 48 : index
    %get3A_1039 = tpu.vector_load %arg9[%get3A_1037, %get3A_1038] {strides = array<i32>} : memref<8x128xf32, #tpu.memory_space<vmem>>, vector<1x16xf32>,
    %get3A_1040 = vector.shape_cast %get3A_1039 : vector<1x16xf32> to vector<16xf32>
    %add3A_1041 = arith.addf %get3A_1035, %get3A_1040 : vector<16xf32>
    %mul3A_1042 = arith.constant 5.000000e-01 : f32
    %mul3A_1043 = vector.broadcast %mul3A_1042 : f32 to vector<16xf32>
    %mul3A_1044 = arith.mulf %add3A_1041, %mul3A_1043 : vector<16xf32>
    %swap3A_1045 = arith.constant 6 : i32
    %swap3A_1046 = arith.index_cast %swap3A_1045 : i32 to index
    %swap3A_1047 = arith.constant 48 : index
    %swap3A_1048 = tpu.vector_load %arg10[%swap3A_1046, %swap3A_1047] {strides = array<i32>} : memref<8x128xf32, #tpu.memory_space<vmem>>, vector<1x16xf32>,
    %swap3A_1049 = vector.shape_cast %swap3A_1048 : vector<1x16xf32> to vector<16xf32>
    %swap3A_1050 = vector.shape_cast %mul3A_1044 : vector<16xf32> to vector<1x16xf32>
    tpu.vector_store %arg10[%swap3A_1046, %swap3A_1047], %swap3A_1050 {strides = array<i32>} : memref<8x128xf32, #tpu.memory_space<vmem>>, vector<1x16xf32>,
    %get3A_1051 = arith.constant 6 : i32
    %get3A_1052 = arith.index_cast %get3A_1051 : i32 to index
    %get3A_1053 = arith.constant 64 : index
    %get3A_1054 = tpu.vector_load %arg8[%get3A_1052, %get3A_1053] {strides = array<i32>} : memref<8x128xf32, #tpu.memory_space<vmem>>, vector<1x16xf32>,
    %get3A_1055 = vector.shape_cast %get3A_1054 : vector<1x16xf32> to vector<16xf32>
    %get3A_1056 = arith.constant 6 : i32
    %get3A_1057 = arith.index_cast %get3A_1056 : i32 to index
    %get3A_1058 = arith.constant 64 : index
    %get3A_1059 = tpu.vector_load %arg9[%get3A_1057, %get3A_1058] {strides = array<i32>} : memref<8x128xf32, #tpu.memory_space<vmem>>, vector<1x16xf32>,
    %get3A_1060 = vector.shape_cast %get3A_1059 : vector<1x16xf32> to vector<16xf32>
    %add3A_1061 = arith.addf %get3A_1055, %get3A_1060 : vector<16xf32>
    %mul3A_1062 = arith.constant 5.000000e-01 : f32
    %mul3A_1063 = vector.broadcast %mul3A_1062 : f32 to vector<16xf32>
    %mul3A_1064 = arith.mulf %add3A_1061, %mul3A_1063 : vector<16xf32>
    %swap3A_1065 = arith.constant 6 : i32
    %swap3A_1066 = arith.index_cast %swap3A_1065 : i32 to index
    %swap3A_1067 = arith.constant 64 : index
    %swap3A_1068 = tpu.vector_load %arg10[%swap3A_1066, %swap3A_1067] {strides = array<i32>} : memref<8x128xf32, #tpu.memory_space<vmem>>, vector<1x16xf32>,
    %swap3A_1069 = vector.shape_cast %swap3A_1068 : vector<1x16xf32> to vector<16xf32>
    %swap3A_1070 = vector.shape_cast %mul3A_1064 : vector<16xf32> to vector<1x16xf32>
    tpu.vector_store %arg10[%swap3A_1066, %swap3A_1067], %swap3A_1070 {strides = array<i32>} : memref<8x128xf32, #tpu.memory_space<vmem>>, vector<1x16xf32>,
    %get3A_1071 = arith.constant 6 : i32
    %get3A_1072 = arith.index_cast %get3A_1071 : i32 to index
    %get3A_1073 = arith.constant 80 : index
    %get3A_1074 = tpu.vector_load %arg8[%get3A_1072, %get3A_1073] {strides = array<i32>} : memref<8x128xf32, #tpu.memory_space<vmem>>, vector<1x16xf32>,
    %get3A_1075 = vector.shape_cast %get3A_1074 : vector<1x16xf32> to vector<16xf32>
    %get3A_1076 = arith.constant 6 : i32
    %get3A_1077 = arith.index_cast %get3A_1076 : i32 to index
    %get3A_1078 = arith.constant 80 : index
    %get3A_1079 = tpu.vector_load %arg9[%get3A_1077, %get3A_1078] {strides = array<i32>} : memref<8x128xf32, #tpu.memory_space<vmem>>, vector<1x16xf32>,
    %get3A_1080 = vector.shape_cast %get3A_1079 : vector<1x16xf32> to vector<16xf32>
    %add3A_1081 = arith.addf %get3A_1075, %get3A_1080 : vector<16xf32>
    %mul3A_1082 = arith.constant 5.000000e-01 : f32
    %mul3A_1083 = vector.broadcast %mul3A_1082 : f32 to vector<16xf32>
    %mul3A_1084 = arith.mulf %add3A_1081, %mul3A_1083 : vector<16xf32>
    %swap3A_1085 = arith.constant 6 : i32
    %swap3A_1086 = arith.index_cast %swap3A_1085 : i32 to index
    %swap3A_1087 = arith.constant 80 : index
    %swap3A_1088 = tpu.vector_load %arg10[%swap3A_1086, %swap3A_1087] {strides = array<i32>} : memref<8x128xf32, #tpu.memory_space<vmem>>, vector<1x16xf32>,
    %swap3A_1089 = vector.shape_cast %swap3A_1088 : vector<1x16xf32> to vector<16xf32>
    %swap3A_1090 = vector.shape_cast %mul3A_1084 : vector<16xf32> to vector<1x16xf32>
    tpu.vector_store %arg10[%swap3A_1086, %swap3A_1087], %swap3A_1090 {strides = array<i32>} : memref<8x128xf32, #tpu.memory_space<vmem>>, vector<1x16xf32>,
    %get3A_1091 = arith.constant 6 : i32
    %get3A_1092 = arith.index_cast %get3A_1091 : i32 to index
    %get3A_1093 = arith.constant 96 : index
    %get3A_1094 = tpu.vector_load %arg8[%get3A_1092, %get3A_1093] {strides = array<i32>} : memref<8x128xf32, #tpu.memory_space<vmem>>, vector<1x16xf32>,
    %get3A_1095 = vector.shape_cast %get3A_1094 : vector<1x16xf32> to vector<16xf32>
    %get3A_1096 = arith.constant 6 : i32
    %get3A_1097 = arith.index_cast %get3A_1096 : i32 to index
    %get3A_1098 = arith.constant 96 : index
    %get3A_1099 = tpu.vector_load %arg9[%get3A_1097, %get3A_1098] {strides = array<i32>} : memref<8x128xf32, #tpu.memory_space<vmem>>, vector<1x16xf32>,
    %get3A_1100 = vector.shape_cast %get3A_1099 : vector<1x16xf32> to vector<16xf32>
    %add3A_1101 = arith.addf %get3A_1095, %get3A_1100 : vector<16xf32>
    %mul3A_1102 = arith.constant 5.000000e-01 : f32
    %mul3A_1103 = vector.broadcast %mul3A_1102 : f32 to vector<16xf32>
    %mul3A_1104 = arith.mulf %add3A_1101, %mul3A_1103 : vector<16xf32>
    %swap3A_1105 = arith.constant 6 : i32
    %swap3A_1106 = arith.index_cast %swap3A_1105 : i32 to index
    %swap3A_1107 = arith.constant 96 : index
    %swap3A_1108 = tpu.vector_load %arg10[%swap3A_1106, %swap3A_1107] {strides = array<i32>} : memref<8x128xf32, #tpu.memory_space<vmem>>, vector<1x16xf32>,
    %swap3A_1109 = vector.shape_cast %swap3A_1108 : vector<1x16xf32> to vector<16xf32>
    %swap3A_1110 = vector.shape_cast %mul3A_1104 : vector<16xf32> to vector<1x16xf32>
    tpu.vector_store %arg10[%swap3A_1106, %swap3A_1107], %swap3A_1110 {strides = array<i32>} : memref<8x128xf32, #tpu.memory_space<vmem>>, vector<1x16xf32>,
    %get3A_1111 = arith.constant 6 : i32
    %get3A_1112 = arith.index_cast %get3A_1111 : i32 to index
    %get3A_1113 = arith.constant 112 : index
    %get3A_1114 = tpu.vector_load %arg8[%get3A_1112, %get3A_1113] {strides = array<i32>} : memref<8x128xf32, #tpu.memory_space<vmem>>, vector<1x16xf32>,
    %get3A_1115 = vector.shape_cast %get3A_1114 : vector<1x16xf32> to vector<16xf32>
    %get3A_1116 = arith.constant 6 : i32
    %get3A_1117 = arith.index_cast %get3A_1116 : i32 to index
    %get3A_1118 = arith.constant 112 : index
    %get3A_1119 = tpu.vector_load %arg9[%get3A_1117, %get3A_1118] {strides = array<i32>} : memref<8x128xf32, #tpu.memory_space<vmem>>, vector<1x16xf32>,
    %get3A_1120 = vector.shape_cast %get3A_1119 : vector<1x16xf32> to vector<16xf32>
    %add3A_1121 = arith.addf %get3A_1115, %get3A_1120 : vector<16xf32>
    %mul3A_1122 = arith.constant 5.000000e-01 : f32
    %mul3A_1123 = vector.broadcast %mul3A_1122 : f32 to vector<16xf32>
    %mul3A_1124 = arith.mulf %add3A_1121, %mul3A_1123 : vector<16xf32>
    %swap3A_1125 = arith.constant 6 : i32
    %swap3A_1126 = arith.index_cast %swap3A_1125 : i32 to index
    %swap3A_1127 = arith.constant 112 : index
    %swap3A_1128 = tpu.vector_load %arg10[%swap3A_1126, %swap3A_1127] {strides = array<i32>} : memref<8x128xf32, #tpu.memory_space<vmem>>, vector<1x16xf32>,
    %swap3A_1129 = vector.shape_cast %swap3A_1128 : vector<1x16xf32> to vector<16xf32>
    %swap3A_1130 = vector.shape_cast %mul3A_1124 : vector<16xf32> to vector<1x16xf32>
    tpu.vector_store %arg10[%swap3A_1126, %swap3A_1127], %swap3A_1130 {strides = array<i32>} : memref<8x128xf32, #tpu.memory_space<vmem>>, vector<1x16xf32>,
    %get3A_1131 = arith.constant 7 : i32
    %get3A_1132 = arith.index_cast %get3A_1131 : i32 to index
    %get3A_1133 = arith.constant 0 : index
    %get3A_1134 = tpu.vector_load %arg8[%get3A_1132, %get3A_1133] {strides = array<i32>} : memref<8x128xf32, #tpu.memory_space<vmem>>, vector<1x16xf32>,
    %get3A_1135 = vector.shape_cast %get3A_1134 : vector<1x16xf32> to vector<16xf32>
    %get3A_1136 = arith.constant 7 : i32
    %get3A_1137 = arith.index_cast %get3A_1136 : i32 to index
    %get3A_1138 = arith.constant 0 : index
    %get3A_1139 = tpu.vector_load %arg9[%get3A_1137, %get3A_1138] {strides = array<i32>} : memref<8x128xf32, #tpu.memory_space<vmem>>, vector<1x16xf32>,
    %get3A_1140 = vector.shape_cast %get3A_1139 : vector<1x16xf32> to vector<16xf32>
    %add3A_1141 = arith.addf %get3A_1135, %get3A_1140 : vector<16xf32>
    %mul3A_1142 = arith.constant 5.000000e-01 : f32
    %mul3A_1143 = vector.broadcast %mul3A_1142 : f32 to vector<16xf32>
    %mul3A_1144 = arith.mulf %add3A_1141, %mul3A_1143 : vector<16xf32>
    %swap3A_1145 = arith.constant 7 : i32
    %swap3A_1146 = arith.index_cast %swap3A_1145 : i32 to index
    %swap3A_1147 = arith.constant 0 : index
    %swap3A_1148 = tpu.vector_load %arg10[%swap3A_1146, %swap3A_1147] {strides = array<i32>} : memref<8x128xf32, #tpu.memory_space<vmem>>, vector<1x16xf32>,
    %swap3A_1149 = vector.shape_cast %swap3A_1148 : vector<1x16xf32> to vector<16xf32>
    %swap3A_1150 = vector.shape_cast %mul3A_1144 : vector<16xf32> to vector<1x16xf32>
    tpu.vector_store %arg10[%swap3A_1146, %swap3A_1147], %swap3A_1150 {strides = array<i32>} : memref<8x128xf32, #tpu.memory_space<vmem>>, vector<1x16xf32>,
    %get3A_1151 = arith.constant 7 : i32
    %get3A_1152 = arith.index_cast %get3A_1151 : i32 to index
    %get3A_1153 = arith.constant 16 : index
    %get3A_1154 = tpu.vector_load %arg8[%get3A_1152, %get3A_1153] {strides = array<i32>} : memref<8x128xf32, #tpu.memory_space<vmem>>, vector<1x16xf32>,
    %get3A_1155 = vector.shape_cast %get3A_1154 : vector<1x16xf32> to vector<16xf32>
    %get3A_1156 = arith.constant 7 : i32
    %get3A_1157 = arith.index_cast %get3A_1156 : i32 to index
    %get3A_1158 = arith.constant 16 : index
    %get3A_1159 = tpu.vector_load %arg9[%get3A_1157, %get3A_1158] {strides = array<i32>} : memref<8x128xf32, #tpu.memory_space<vmem>>, vector<1x16xf32>,
    %get3A_1160 = vector.shape_cast %get3A_1159 : vector<1x16xf32> to vector<16xf32>
    %add3A_1161 = arith.addf %get3A_1155, %get3A_1160 : vector<16xf32>
    %mul3A_1162 = arith.constant 5.000000e-01 : f32
    %mul3A_1163 = vector.broadcast %mul3A_1162 : f32 to vector<16xf32>
    %mul3A_1164 = arith.mulf %add3A_1161, %mul3A_1163 : vector<16xf32>
    %swap3A_1165 = arith.constant 7 : i32
    %swap3A_1166 = arith.index_cast %swap3A_1165 : i32 to index
    %swap3A_1167 = arith.constant 16 : index
    %swap3A_1168 = tpu.vector_load %arg10[%swap3A_1166, %swap3A_1167] {strides = array<i32>} : memref<8x128xf32, #tpu.memory_space<vmem>>, vector<1x16xf32>,
    %swap3A_1169 = vector.shape_cast %swap3A_1168 : vector<1x16xf32> to vector<16xf32>
    %swap3A_1170 = vector.shape_cast %mul3A_1164 : vector<16xf32> to vector<1x16xf32>
    tpu.vector_store %arg10[%swap3A_1166, %swap3A_1167], %swap3A_1170 {strides = array<i32>} : memref<8x128xf32, #tpu.memory_space<vmem>>, vector<1x16xf32>,
    %get3A_1171 = arith.constant 7 : i32
    %get3A_1172 = arith.index_cast %get3A_1171 : i32 to index
    %get3A_1173 = arith.constant 32 : index
    %get3A_1174 = tpu.vector_load %arg8[%get3A_1172, %get3A_1173] {strides = array<i32>} : memref<8x128xf32, #tpu.memory_space<vmem>>, vector<1x16xf32>,
    %get3A_1175 = vector.shape_cast %get3A_1174 : vector<1x16xf32> to vector<16xf32>
    %get3A_1176 = arith.constant 7 : i32
    %get3A_1177 = arith.index_cast %get3A_1176 : i32 to index
    %get3A_1178 = arith.constant 32 : index
    %get3A_1179 = tpu.vector_load %arg9[%get3A_1177, %get3A_1178] {strides = array<i32>} : memref<8x128xf32, #tpu.memory_space<vmem>>, vector<1x16xf32>,
    %get3A_1180 = vector.shape_cast %get3A_1179 : vector<1x16xf32> to vector<16xf32>
    %add3A_1181 = arith.addf %get3A_1175, %get3A_1180 : vector<16xf32>
    %mul3A_1182 = arith.constant 5.000000e-01 : f32
    %mul3A_1183 = vector.broadcast %mul3A_1182 : f32 to vector<16xf32>
    %mul3A_1184 = arith.mulf %add3A_1181, %mul3A_1183 : vector<16xf32>
    %swap3A_1185 = arith.constant 7 : i32
    %swap3A_1186 = arith.index_cast %swap3A_1185 : i32 to index
    %swap3A_1187 = arith.constant 32 : index
    %swap3A_1188 = tpu.vector_load %arg10[%swap3A_1186, %swap3A_1187] {strides = array<i32>} : memref<8x128xf32, #tpu.memory_space<vmem>>, vector<1x16xf32>,
    %swap3A_1189 = vector.shape_cast %swap3A_1188 : vector<1x16xf32> to vector<16xf32>
    %swap3A_1190 = vector.shape_cast %mul3A_1184 : vector<16xf32> to vector<1x16xf32>
    tpu.vector_store %arg10[%swap3A_1186, %swap3A_1187], %swap3A_1190 {strides = array<i32>} : memref<8x128xf32, #tpu.memory_space<vmem>>, vector<1x16xf32>,
    %get3A_1191 = arith.constant 7 : i32
    %get3A_1192 = arith.index_cast %get3A_1191 : i32 to index
    %get3A_1193 = arith.constant 48 : index
    %get3A_1194 = tpu.vector_load %arg8[%get3A_1192, %get3A_1193] {strides = array<i32>} : memref<8x128xf32, #tpu.memory_space<vmem>>, vector<1x16xf32>,
    %get3A_1195 = vector.shape_cast %get3A_1194 : vector<1x16xf32> to vector<16xf32>
    %get3A_1196 = arith.constant 7 : i32
    %get3A_1197 = arith.index_cast %get3A_1196 : i32 to index
    %get3A_1198 = arith.constant 48 : index
    %get3A_1199 = tpu.vector_load %arg9[%get3A_1197, %get3A_1198] {strides = array<i32>} : memref<8x128xf32, #tpu.memory_space<vmem>>, vector<1x16xf32>,
    %get3A_1200 = vector.shape_cast %get3A_1199 : vector<1x16xf32> to vector<16xf32>
    %add3A_1201 = arith.addf %get3A_1195, %get3A_1200 : vector<16xf32>
    %mul3A_1202 = arith.constant 5.000000e-01 : f32
    %mul3A_1203 = vector.broadcast %mul3A_1202 : f32 to vector<16xf32>
    %mul3A_1204 = arith.mulf %add3A_1201, %mul3A_1203 : vector<16xf32>
    %swap3A_1205 = arith.constant 7 : i32
    %swap3A_1206 = arith.index_cast %swap3A_1205 : i32 to index
    %swap3A_1207 = arith.constant 48 : index
    %swap3A_1208 = tpu.vector_load %arg10[%swap3A_1206, %swap3A_1207] {strides = array<i32>} : memref<8x128xf32, #tpu.memory_space<vmem>>, vector<1x16xf32>,
    %swap3A_1209 = vector.shape_cast %swap3A_1208 : vector<1x16xf32> to vector<16xf32>
    %swap3A_1210 = vector.shape_cast %mul3A_1204 : vector<16xf32> to vector<1x16xf32>
    tpu.vector_store %arg10[%swap3A_1206, %swap3A_1207], %swap3A_1210 {strides = array<i32>} : memref<8x128xf32, #tpu.memory_space<vmem>>, vector<1x16xf32>,
    %get3A_1211 = arith.constant 7 : i32
    %get3A_1212 = arith.index_cast %get3A_1211 : i32 to index
    %get3A_1213 = arith.constant 64 : index
    %get3A_1214 = tpu.vector_load %arg8[%get3A_1212, %get3A_1213] {strides = array<i32>} : memref<8x128xf32, #tpu.memory_space<vmem>>, vector<1x16xf32>,
    %get3A_1215 = vector.shape_cast %get3A_1214 : vector<1x16xf32> to vector<16xf32>
    %get3A_1216 = arith.constant 7 : i32
    %get3A_1217 = arith.index_cast %get3A_1216 : i32 to index
    %get3A_1218 = arith.constant 64 : index
    %get3A_1219 = tpu.vector_load %arg9[%get3A_1217, %get3A_1218] {strides = array<i32>} : memref<8x128xf32, #tpu.memory_space<vmem>>, vector<1x16xf32>,
    %get3A_1220 = vector.shape_cast %get3A_1219 : vector<1x16xf32> to vector<16xf32>
    %add3A_1221 = arith.addf %get3A_1215, %get3A_1220 : vector<16xf32>
    %mul3A_1222 = arith.constant 5.000000e-01 : f32
    %mul3A_1223 = vector.broadcast %mul3A_1222 : f32 to vector<16xf32>
    %mul3A_1224 = arith.mulf %add3A_1221, %mul3A_1223 : vector<16xf32>
    %swap3A_1225 = arith.constant 7 : i32
    %swap3A_1226 = arith.index_cast %swap3A_1225 : i32 to index
    %swap3A_1227 = arith.constant 64 : index
    %swap3A_1228 = tpu.vector_load %arg10[%swap3A_1226, %swap3A_1227] {strides = array<i32>} : memref<8x128xf32, #tpu.memory_space<vmem>>, vector<1x16xf32>,
    %swap3A_1229 = vector.shape_cast %swap3A_1228 : vector<1x16xf32> to vector<16xf32>
    %swap3A_1230 = vector.shape_cast %mul3A_1224 : vector<16xf32> to vector<1x16xf32>
    tpu.vector_store %arg10[%swap3A_1226, %swap3A_1227], %swap3A_1230 {strides = array<i32>} : memref<8x128xf32, #tpu.memory_space<vmem>>, vector<1x16xf32>,
    %get3A_1231 = arith.constant 7 : i32
    %get3A_1232 = arith.index_cast %get3A_1231 : i32 to index
    %get3A_1233 = arith.constant 80 : index
    %get3A_1234 = tpu.vector_load %arg8[%get3A_1232, %get3A_1233] {strides = array<i32>} : memref<8x128xf32, #tpu.memory_space<vmem>>, vector<1x16xf32>,
    %get3A_1235 = vector.shape_cast %get3A_1234 : vector<1x16xf32> to vector<16xf32>
    %get3A_1236 = arith.constant 7 : i32
    %get3A_1237 = arith.index_cast %get3A_1236 : i32 to index
    %get3A_1238 = arith.constant 80 : index
    %get3A_1239 = tpu.vector_load %arg9[%get3A_1237, %get3A_1238] {strides = array<i32>} : memref<8x128xf32, #tpu.memory_space<vmem>>, vector<1x16xf32>,
    %get3A_1240 = vector.shape_cast %get3A_1239 : vector<1x16xf32> to vector<16xf32>
    %add3A_1241 = arith.addf %get3A_1235, %get3A_1240 : vector<16xf32>
    %mul3A_1242 = arith.constant 5.000000e-01 : f32
    %mul3A_1243 = vector.broadcast %mul3A_1242 : f32 to vector<16xf32>
    %mul3A_1244 = arith.mulf %add3A_1241, %mul3A_1243 : vector<16xf32>
    %swap3A_1245 = arith.constant 7 : i32
    %swap3A_1246 = arith.index_cast %swap3A_1245 : i32 to index
    %swap3A_1247 = arith.constant 80 : index
    %swap3A_1248 = tpu.vector_load %arg10[%swap3A_1246, %swap3A_1247] {strides = array<i32>} : memref<8x128xf32, #tpu.memory_space<vmem>>, vector<1x16xf32>,
    %swap3A_1249 = vector.shape_cast %swap3A_1248 : vector<1x16xf32> to vector<16xf32>
    %swap3A_1250 = vector.shape_cast %mul3A_1244 : vector<16xf32> to vector<1x16xf32>
    tpu.vector_store %arg10[%swap3A_1246, %swap3A_1247], %swap3A_1250 {strides = array<i32>} : memref<8x128xf32, #tpu.memory_space<vmem>>, vector<1x16xf32>,
    %get3A_1251 = arith.constant 7 : i32
    %get3A_1252 = arith.index_cast %get3A_1251 : i32 to index
    %get3A_1253 = arith.constant 96 : index
    %get3A_1254 = tpu.vector_load %arg8[%get3A_1252, %get3A_1253] {strides = array<i32>} : memref<8x128xf32, #tpu.memory_space<vmem>>, vector<1x16xf32>,
    %get3A_1255 = vector.shape_cast %get3A_1254 : vector<1x16xf32> to vector<16xf32>
    %get3A_1256 = arith.constant 7 : i32
    %get3A_1257 = arith.index_cast %get3A_1256 : i32 to index
    %get3A_1258 = arith.constant 96 : index
    %get3A_1259 = tpu.vector_load %arg9[%get3A_1257, %get3A_1258] {strides = array<i32>} : memref<8x128xf32, #tpu.memory_space<vmem>>, vector<1x16xf32>,
    %get3A_1260 = vector.shape_cast %get3A_1259 : vector<1x16xf32> to vector<16xf32>
    %add3A_1261 = arith.addf %get3A_1255, %get3A_1260 : vector<16xf32>
    %mul3A_1262 = arith.constant 5.000000e-01 : f32
    %mul3A_1263 = vector.broadcast %mul3A_1262 : f32 to vector<16xf32>
    %mul3A_1264 = arith.mulf %add3A_1261, %mul3A_1263 : vector<16xf32>
    %swap3A_1265 = arith.constant 7 : i32
    %swap3A_1266 = arith.index_cast %swap3A_1265 : i32 to index
    %swap3A_1267 = arith.constant 96 : index
    %swap3A_1268 = tpu.vector_load %arg10[%swap3A_1266, %swap3A_1267] {strides = array<i32>} : memref<8x128xf32, #tpu.memory_space<vmem>>, vector<1x16xf32>,
    %swap3A_1269 = vector.shape_cast %swap3A_1268 : vector<1x16xf32> to vector<16xf32>
    %swap3A_1270 = vector.shape_cast %mul3A_1264 : vector<16xf32> to vector<1x16xf32>
    tpu.vector_store %arg10[%swap3A_1266, %swap3A_1267], %swap3A_1270 {strides = array<i32>} : memref<8x128xf32, #tpu.memory_space<vmem>>, vector<1x16xf32>,
    %get3A_1271 = arith.constant 7 : i32
    %get3A_1272 = arith.index_cast %get3A_1271 : i32 to index
    %get3A_1273 = arith.constant 112 : index
    %get3A_1274 = tpu.vector_load %arg8[%get3A_1272, %get3A_1273] {strides = array<i32>} : memref<8x128xf32, #tpu.memory_space<vmem>>, vector<1x16xf32>,
    %get3A_1275 = vector.shape_cast %get3A_1274 : vector<1x16xf32> to vector<16xf32>
    %get3A_1276 = arith.constant 7 : i32
    %get3A_1277 = arith.index_cast %get3A_1276 : i32 to index
    %get3A_1278 = arith.constant 112 : index
    %get3A_1279 = tpu.vector_load %arg9[%get3A_1277, %get3A_1278] {strides = array<i32>} : memref<8x128xf32, #tpu.memory_space<vmem>>, vector<1x16xf32>,
    %get3A_1280 = vector.shape_cast %get3A_1279 : vector<1x16xf32> to vector<16xf32>
    %add3A_1281 = arith.addf %get3A_1275, %get3A_1280 : vector<16xf32>
    %mul3A_1282 = arith.constant 5.000000e-01 : f32
    %mul3A_1283 = vector.broadcast %mul3A_1282 : f32 to vector<16xf32>
    %mul3A_1284 = arith.mulf %add3A_1281, %mul3A_1283 : vector<16xf32>
    %swap3A_1285 = arith.constant 7 : i32
    %swap3A_1286 = arith.index_cast %swap3A_1285 : i32 to index
    %swap3A_1287 = arith.constant 112 : index
    %swap3A_1288 = tpu.vector_load %arg10[%swap3A_1286, %swap3A_1287] {strides = array<i32>} : memref<8x128xf32, #tpu.memory_space<vmem>>, vector<1x16xf32>,
    %swap3A_1289 = vector.shape_cast %swap3A_1288 : vector<1x16xf32> to vector<16xf32>
    %swap3A_1290 = vector.shape_cast %mul3A_1284 : vector<16xf32> to vector<1x16xf32>
    tpu.vector_store %arg10[%swap3A_1286, %swap3A_1287], %swap3A_1290 {strides = array<i32>} : memref<8x128xf32, #tpu.memory_space<vmem>>, vector<1x16xf32>,
    "tpu.region"() ({
      %run_scoped3A = tpu.sem_alloc : memref<!tpu.dma_semaphore, #tpu.memory_space<semaphore_mem>>
      %dma_start3A_1291 = arith.constant 0 : i32
      %dma_start3A_1292 = tpu.memref_slice %arg5[%mul3A_2, %dma_start3A_1291] : memref<256x128xf32, #tpu.memory_space<hbm>> -> memref<8x128xf32, #tpu.memory_space<hbm>>
      %dma_start3A_1293 = arith.constant 0 : i32
      %dma_start3A_1294 = tpu.memref_slice %arg5[%mul3A_2, %dma_start3A_1293] : memref<256x128xf32, #tpu.memory_space<hbm>> -> memref<8x128xf32, #tpu.memory_space<hbm>>
      tpu.enqueue_dma source(%arg10 : memref<8x128xf32, #tpu.memory_space<vmem>>) target(%dma_start3A_1294 : memref<8x128xf32, #tpu.memory_space<hbm>>) target_semaphore(%run_scoped3A : memref<!tpu.dma_semaphore, #tpu.memory_space<semaphore_mem>>)
      %dma_wait3A_1295 = arith.constant 0 : i32
      %dma_wait3A_1296 = tpu.memref_slice %arg5[%mul3A_2, %dma_wait3A_1295] : memref<256x128xf32, #tpu.memory_space<hbm>> -> memref<8x128xf32, #tpu.memory_space<hbm>>
      %dma_wait3A_1297 = arith.constant 0 : i32
      %dma_wait3A_1298 = tpu.memref_slice %arg5[%mul3A_2, %dma_wait3A_1297] : memref<256x128xf32, #tpu.memory_space<hbm>> -> memref<8x128xf32, #tpu.memory_space<hbm>>
      tpu.wait_dma2 semaphore(%run_scoped3A : memref<!tpu.dma_semaphore, #tpu.memory_space<semaphore_mem>>) src(%arg10 : memref<8x128xf32, #tpu.memory_space<vmem>>) dst(%dma_wait3A_1298 : memref<8x128xf32, #tpu.memory_space<hbm>>)
      tpu.yield
    }) : () -> ()
    return
  }
}

module attributes {stable_mosaic.version = 14 : i64} {
  func.func @_sample_body(%arg0: memref<256x256xf32, #tpu.memory_space<vmem>>, %arg1: memref<256xf32, #tpu.memory_space<vmem>>, %arg2: memref<5x256xi32, #tpu.memory_space<vmem>>, %arg3: memref<256xi32, #tpu.memory_space<vmem>>, %arg4: memref<256xi32, #tpu.memory_space<vmem>>, %arg5: memref<256x256xbf16, #tpu.memory_space<vmem>>, %arg6: memref<256xi32, #tpu.memory_space<vmem>>, %arg7: memref<256xi32, #tpu.memory_space<vmem>>, %arg8: memref<256xf32, #tpu.memory_space<vmem>>) attributes {dimension_semantics = [], scalar_prefetch = 0 : i64, scratch_operands = 0 : i64, tpu.core_type = #tpu.core_type<tc>} {
    %get3A = arith.constant 0 : index
    %get3A_0 = arith.constant 0 : index
    %get3A_1 = vector.load %arg0[%get3A, %get3A_0] : memref<256x256xf32, #tpu.memory_space<vmem>>, vector<256x256xf32>
    %get3A_2 = arith.constant 0 : index
    %get3A_3 = vector.load %arg1[%get3A_2] : memref<256xf32, #tpu.memory_space<vmem>>, vector<256xf32>
    %broadcast_in_dim3A = vector.shape_cast %get3A_3 : vector<256xf32> to vector<1x256xf32>
    %add3A = vector.broadcast %broadcast_in_dim3A : vector<1x256xf32> to vector<256x256xf32>
    %add3A_4 = arith.addf %get3A_1, %add3A : vector<256x256xf32>
    %reduce_max3A = arith.constant dense<0xFF800000> : vector<256xf32>
    %reduce_max3A_5 = vector.multi_reduction <maximumf>, %add3A_4, %reduce_max3A [1] : vector<256x256xf32> to vector<256xf32>
    %broadcast_in_dim3A_6 = vector.shape_cast %reduce_max3A_5 : vector<256xf32> to vector<256x1xf32>
    %iota3A = tpu.iota {dimensions = array<i32: 1>} : vector<256x256xi32>
    %ge3A = vector.broadcast %broadcast_in_dim3A_6 : vector<256x1xf32> to vector<256x256xf32>
    %ge3A_7 = arith.cmpf oge, %add3A_4, %ge3A : vector<256x256xf32>
    %jit3A = arith.constant 256 : i32
    %broadcast_in_dim3A_8 = vector.broadcast %jit3A : i32 to vector<256x256xi32>
    %select_n3A = arith.select %ge3A_7, %iota3A, %broadcast_in_dim3A_8 : vector<256x256xi1>, vector<256x256xi32>
    %reduce_min3A = arith.constant dense<2147483647> : vector<256xi32>
    %reduce_min3A_9 = vector.multi_reduction <minsi>, %select_n3A, %reduce_min3A [1] : vector<256x256xi32> to vector<256xi32>
    %mul3A = arith.constant 64 : i32
    %mul3A_10 = vector.broadcast %mul3A : i32 to vector<256xi32>
    %mul3A_11 = arith.muli %reduce_min3A_9, %mul3A_10 : vector<256xi32>
    %swap3A = arith.constant 0 : index
    %swap3A_12 = vector.load %arg3[%swap3A] : memref<256xi32, #tpu.memory_space<vmem>>, vector<256xi32>
    tpu.vector_store %arg3[%swap3A], %mul3A_11 {strides = array<i32>} : memref<256xi32, #tpu.memory_space<vmem>>, vector<256xi32>,
    %mul3A_13 = arith.constant 64 : i32
    %mul3A_14 = vector.broadcast %mul3A_13 : i32 to vector<256xi32>
    %mul3A_15 = arith.muli %reduce_min3A_9, %mul3A_14 : vector<256xi32>
    %add3A_16 = arith.constant 1 : i32
    %add3A_17 = vector.broadcast %add3A_16 : i32 to vector<256xi32>
    %add3A_18 = arith.addi %mul3A_15, %add3A_17 : vector<256xi32>
    %swap3A_19 = arith.constant 0 : index
    %swap3A_20 = vector.load %arg4[%swap3A_19] : memref<256xi32, #tpu.memory_space<vmem>>, vector<256xi32>
    tpu.vector_store %arg4[%swap3A_19], %add3A_18 {strides = array<i32>} : memref<256xi32, #tpu.memory_space<vmem>>, vector<256xi32>,
    %broadcast_in_dim3A_21 = vector.shape_cast %reduce_min3A_9 : vector<256xi32> to vector<256x1xi32>
    %eq3A = vector.broadcast %broadcast_in_dim3A_21 : vector<256x1xi32> to vector<256x256xi32>
    %eq3A_22 = arith.cmpi eq, %eq3A, %iota3A : vector<256x256xi32>
    %convert_element_type3A = arith.extui %eq3A_22 : vector<256x256xi1> to vector<256x256xi32>
    %convert_element_type3A_23 = arith.sitofp %convert_element_type3A : vector<256x256xi32> to vector<256x256xf32>
    %convert_element_type3A_24 = arith.truncf %convert_element_type3A_23 : vector<256x256xf32> to vector<256x256xbf16>
    %swap3A_25 = arith.constant 0 : index
    %swap3A_26 = arith.constant 0 : index
    %swap3A_27 = vector.load %arg5[%swap3A_25, %swap3A_26] : memref<256x256xbf16, #tpu.memory_space<vmem>>, vector<256x256xbf16>
    tpu.vector_store %arg5[%swap3A_25, %swap3A_26], %convert_element_type3A_24 {strides = array<i32>} : memref<256x256xbf16, #tpu.memory_space<vmem>>, vector<256x256xbf16>,
    %get3A_28 = arith.constant 0 : index
    %get3A_29 = arith.constant 0 : index
    %get3A_30 = vector.load %arg2[%get3A_28, %get3A_29] : memref<5x256xi32, #tpu.memory_space<vmem>>, vector<5x256xi32>
    %slice3A = vector.extract_strided_slice %get3A_30 {offsets = [0, 0], sizes = [1, 256], strides = [1, 1]} : vector<5x256xi32> to vector<1x256xi32>
    %squeeze3A = vector.shape_cast %slice3A : vector<1x256xi32> to vector<256xi32>
    %broadcast_in_dim3A_31 = vector.shape_cast %squeeze3A : vector<256xi32> to vector<1x256xi32>
    %jit3A_32 = arith.constant 0 : i32
    %broadcast_in_dim3A_33 = vector.shape_cast %broadcast_in_dim3A_31 : vector<1x256xi32> to vector<1x256xi32>
    %broadcast_in_dim3A_34 = vector.broadcast %broadcast_in_dim3A_33 : vector<1x256xi32> to vector<256x256xi32>
    %broadcast_in_dim3A_35 = vector.broadcast %jit3A_32 : i32 to vector<256x256xi32>
    %select_n3A_36 = arith.select %eq3A_22, %broadcast_in_dim3A_34, %broadcast_in_dim3A_35 : vector<256x256xi1>, vector<256x256xi32>
    %reduce_sum3A = arith.constant dense<0> : vector<256xi32>
    %reduce_sum3A_37 = vector.multi_reduction <add>, %select_n3A_36, %reduce_sum3A [1] : vector<256x256xi32> to vector<256xi32>
    %slice3A_38 = vector.extract_strided_slice %get3A_30 {offsets = [1, 0], sizes = [1, 256], strides = [1, 1]} : vector<5x256xi32> to vector<1x256xi32>
    %squeeze3A_39 = vector.shape_cast %slice3A_38 : vector<1x256xi32> to vector<256xi32>
    %broadcast_in_dim3A_40 = vector.shape_cast %squeeze3A_39 : vector<256xi32> to vector<1x256xi32>
    %jit3A_41 = arith.constant 0 : i32
    %broadcast_in_dim3A_42 = vector.shape_cast %broadcast_in_dim3A_40 : vector<1x256xi32> to vector<1x256xi32>
    %broadcast_in_dim3A_43 = vector.broadcast %broadcast_in_dim3A_42 : vector<1x256xi32> to vector<256x256xi32>
    %broadcast_in_dim3A_44 = vector.broadcast %jit3A_41 : i32 to vector<256x256xi32>
    %select_n3A_45 = arith.select %eq3A_22, %broadcast_in_dim3A_43, %broadcast_in_dim3A_44 : vector<256x256xi1>, vector<256x256xi32>
    %reduce_sum3A_46 = arith.constant dense<0> : vector<256xi32>
    %reduce_sum3A_47 = vector.multi_reduction <add>, %select_n3A_45, %reduce_sum3A_46 [1] : vector<256x256xi32> to vector<256xi32>
    %add3A_48 = arith.addi %reduce_sum3A_37, %reduce_sum3A_47 : vector<256xi32>
    %swap3A_49 = arith.constant 0 : index
    %swap3A_50 = vector.load %arg6[%swap3A_49] : memref<256xi32, #tpu.memory_space<vmem>>, vector<256xi32>
    tpu.vector_store %arg6[%swap3A_49], %add3A_48 {strides = array<i32>} : memref<256xi32, #tpu.memory_space<vmem>>, vector<256xi32>,
    %slice3A_51 = vector.extract_strided_slice %get3A_30 {offsets = [2, 0], sizes = [1, 256], strides = [1, 1]} : vector<5x256xi32> to vector<1x256xi32>
    %squeeze3A_52 = vector.shape_cast %slice3A_51 : vector<1x256xi32> to vector<256xi32>
    %broadcast_in_dim3A_53 = vector.shape_cast %squeeze3A_52 : vector<256xi32> to vector<1x256xi32>
    %jit3A_54 = arith.constant 0 : i32
    %broadcast_in_dim3A_55 = vector.shape_cast %broadcast_in_dim3A_53 : vector<1x256xi32> to vector<1x256xi32>
    %broadcast_in_dim3A_56 = vector.broadcast %broadcast_in_dim3A_55 : vector<1x256xi32> to vector<256x256xi32>
    %broadcast_in_dim3A_57 = vector.broadcast %jit3A_54 : i32 to vector<256x256xi32>
    %select_n3A_58 = arith.select %eq3A_22, %broadcast_in_dim3A_56, %broadcast_in_dim3A_57 : vector<256x256xi1>, vector<256x256xi32>
    %reduce_sum3A_59 = arith.constant dense<0> : vector<256xi32>
    %reduce_sum3A_60 = vector.multi_reduction <add>, %select_n3A_58, %reduce_sum3A_59 [1] : vector<256x256xi32> to vector<256xi32>
    %mul3A_61 = arith.constant 1000003 : i32
    %mul3A_62 = vector.broadcast %mul3A_61 : i32 to vector<256xi32>
    %mul3A_63 = arith.muli %reduce_sum3A_60, %mul3A_62 : vector<256xi32>
    %slice3A_64 = vector.extract_strided_slice %get3A_30 {offsets = [3, 0], sizes = [1, 256], strides = [1, 1]} : vector<5x256xi32> to vector<1x256xi32>
    %squeeze3A_65 = vector.shape_cast %slice3A_64 : vector<1x256xi32> to vector<256xi32>
    %broadcast_in_dim3A_66 = vector.shape_cast %squeeze3A_65 : vector<256xi32> to vector<1x256xi32>
    %jit3A_67 = arith.constant 0 : i32
    %broadcast_in_dim3A_68 = vector.shape_cast %broadcast_in_dim3A_66 : vector<1x256xi32> to vector<1x256xi32>
    %broadcast_in_dim3A_69 = vector.broadcast %broadcast_in_dim3A_68 : vector<1x256xi32> to vector<256x256xi32>
    %broadcast_in_dim3A_70 = vector.broadcast %jit3A_67 : i32 to vector<256x256xi32>
    %select_n3A_71 = arith.select %eq3A_22, %broadcast_in_dim3A_69, %broadcast_in_dim3A_70 : vector<256x256xi1>, vector<256x256xi32>
    %reduce_sum3A_72 = arith.constant dense<0> : vector<256xi32>
    %reduce_sum3A_73 = vector.multi_reduction <add>, %select_n3A_71, %reduce_sum3A_72 [1] : vector<256x256xi32> to vector<256xi32>
    %add3A_74 = arith.addi %mul3A_63, %reduce_sum3A_73 : vector<256xi32>
    %swap3A_75 = arith.constant 0 : index
    %swap3A_76 = vector.load %arg7[%swap3A_75] : memref<256xi32, #tpu.memory_space<vmem>>, vector<256xi32>
    tpu.vector_store %arg7[%swap3A_75], %add3A_74 {strides = array<i32>} : memref<256xi32, #tpu.memory_space<vmem>>, vector<256xi32>,
    %slice3A_77 = vector.extract_strided_slice %get3A_30 {offsets = [4, 0], sizes = [1, 256], strides = [1, 1]} : vector<5x256xi32> to vector<1x256xi32>
    %squeeze3A_78 = vector.shape_cast %slice3A_77 : vector<1x256xi32> to vector<256xi32>
    %broadcast_in_dim3A_79 = vector.shape_cast %squeeze3A_78 : vector<256xi32> to vector<1x256xi32>
    %jit3A_80 = arith.constant 0 : i32
    %broadcast_in_dim3A_81 = vector.shape_cast %broadcast_in_dim3A_79 : vector<1x256xi32> to vector<1x256xi32>
    %broadcast_in_dim3A_82 = vector.broadcast %broadcast_in_dim3A_81 : vector<1x256xi32> to vector<256x256xi32>
    %broadcast_in_dim3A_83 = vector.broadcast %jit3A_80 : i32 to vector<256x256xi32>
    %select_n3A_84 = arith.select %eq3A_22, %broadcast_in_dim3A_82, %broadcast_in_dim3A_83 : vector<256x256xi1>, vector<256x256xi32>
    %reduce_sum3A_85 = arith.constant dense<0> : vector<256xi32>
    %reduce_sum3A_86 = vector.multi_reduction <add>, %select_n3A_84, %reduce_sum3A_85 [1] : vector<256x256xi32> to vector<256xi32>
    %bitcast_convert_type3A = tpu.bitcast %reduce_sum3A_86 : vector<256xi32> -> vector<256xf32>
    %swap3A_87 = arith.constant 0 : index
    %swap3A_88 = vector.load %arg8[%swap3A_87] : memref<256xf32, #tpu.memory_space<vmem>>, vector<256xf32>
    tpu.vector_store %arg8[%swap3A_87], %bitcast_convert_type3A {strides = array<i32>} : memref<256xf32, #tpu.memory_space<vmem>>, vector<256xf32>,
    return
  }
}

module attributes {stable_mosaic.version = 14 : i64} {
  func.func @_merge_body(%arg0: i32, %arg1: memref<1x250x4x256xf32, #tpu.memory_space<vmem>>, %arg2: memref<1x250x4x256xf32, #tpu.memory_space<vmem>>, %arg3: memref<256x256xbf16, #tpu.memory_space<vmem>>, %arg4: memref<256xf32, #tpu.memory_space<vmem>>, %arg5: memref<250x4x256xf32, #tpu.memory_space<vmem>>, %arg6: memref<256xf32, #tpu.memory_space<vmem>>) attributes {dimension_semantics = [#tpu.dimension_semantics<arbitrary>], iteration_bounds = array<i64: 2>, scalar_prefetch = 0 : i64, scratch_operands = 0 : i64, tpu.core_type = #tpu.core_type<tc>, window_params = [{transform_indices = @transform_0, window_bounds = array<i64: 1, 250, 4, 256>}, {transform_indices = @transform_1, window_bounds = array<i64: 1, 250, 4, 256>}, {pipeline_mode = #tpu.pipeline_mode<synchronous>, transform_indices = @transform_2, window_bounds = array<i64: 256, 256>}, {pipeline_mode = #tpu.pipeline_mode<synchronous>, transform_indices = @transform_3, window_bounds = array<i64: 256>}, {transform_indices = @transform_4, window_bounds = array<i64: 250, 4, 256>}, {pipeline_mode = #tpu.pipeline_mode<synchronous>, transform_indices = @transform_5, window_bounds = array<i64: 256>}]} {
    %exp3A = arith.constant -1.000000e-01 : f32
    %exp3A_0 = math.exp %exp3A : f32
    %sub3A = arith.constant 1.000000e+00 : f32
    %sub3A_1 = arith.subf %sub3A, %exp3A_0 : f32
    %div3A = arith.constant 4.000000e+00 : f32
    %div3A_2 = arith.divf %sub3A_1, %div3A : f32
    %get3A = arith.constant 0 : index
    %get3A_3 = arith.constant 0 : index
    %get3A_4 = arith.constant 0 : index
    %get3A_5 = arith.constant 0 : index
    %get3A_6 = vector.load %arg1[%get3A, %get3A_3, %get3A_4, %get3A_5] : memref<1x250x4x256xf32, #tpu.memory_space<vmem>>, vector<1x250x4x256xf32>
    %get3A_7 = vector.shape_cast %get3A_6 : vector<1x250x4x256xf32> to vector<250x4x256xf32>
    %exp3A_8 = math.exp %get3A_7 : vector<250x4x256xf32>
    %get3A_9 = arith.constant 0 : index
    %get3A_10 = arith.constant 0 : index
    %get3A_11 = arith.constant 0 : index
    %get3A_12 = arith.constant 0 : index
    %get3A_13 = vector.load %arg2[%get3A_9, %get3A_10, %get3A_11, %get3A_12] : memref<1x250x4x256xf32, #tpu.memory_space<vmem>>, vector<1x250x4x256xf32>
    %get3A_14 = vector.shape_cast %get3A_13 : vector<1x250x4x256xf32> to vector<250x4x256xf32>
    %exp3A_15 = math.exp %get3A_14 : vector<250x4x256xf32>
    %reduce_sum3A = arith.constant dense<0.000000e+00> : vector<250x256xf32>
    %reduce_sum3A_16 = vector.multi_reduction <add>, %exp3A_8, %reduce_sum3A [1] : vector<250x4x256xf32> to vector<250x256xf32>
    %broadcast_in_dim3A = vector.shape_cast %reduce_sum3A_16 : vector<250x256xf32> to vector<250x1x256xf32>
    %mul3A = vector.broadcast %div3A_2 : f32 to vector<250x1x256xf32>
    %mul3A_17 = arith.mulf %mul3A, %broadcast_in_dim3A : vector<250x1x256xf32>
    %mul3A_18 = vector.broadcast %exp3A_0 : f32 to vector<250x4x256xf32>
    %mul3A_19 = arith.mulf %mul3A_18, %exp3A_8 : vector<250x4x256xf32>
    %add3A = vector.broadcast %mul3A_17 : vector<250x1x256xf32> to vector<250x4x256xf32>
    %add3A_20 = arith.addf %add3A, %mul3A_19 : vector<250x4x256xf32>
    %reduce_sum3A_21 = arith.constant dense<0.000000e+00> : vector<250x256xf32>
    %reduce_sum3A_22 = vector.multi_reduction <add>, %exp3A_15, %reduce_sum3A_21 [1] : vector<250x4x256xf32> to vector<250x256xf32>
    %broadcast_in_dim3A_23 = vector.shape_cast %reduce_sum3A_22 : vector<250x256xf32> to vector<250x1x256xf32>
    %mul3A_24 = vector.broadcast %div3A_2 : f32 to vector<250x1x256xf32>
    %mul3A_25 = arith.mulf %mul3A_24, %broadcast_in_dim3A_23 : vector<250x1x256xf32>
    %mul3A_26 = vector.broadcast %exp3A_0 : f32 to vector<250x4x256xf32>
    %mul3A_27 = arith.mulf %mul3A_26, %exp3A_15 : vector<250x4x256xf32>
    %add3A_28 = vector.broadcast %mul3A_25 : vector<250x1x256xf32> to vector<250x4x256xf32>
    %add3A_29 = arith.addf %add3A_28, %mul3A_27 : vector<250x4x256xf32>
    %mul3A_30 = arith.mulf %add3A_20, %add3A_29 : vector<250x4x256xf32>
    %get3A_31 = arith.constant 0 : index
    %get3A_32 = arith.constant 0 : index
    %get3A_33 = vector.load %arg3[%get3A_31, %get3A_32] : memref<256x256xbf16, #tpu.memory_space<vmem>>, vector<256x256xbf16>
    %log3A = math.log %mul3A_30 : vector<250x4x256xf32>
    %convert_element_type3A = arith.truncf %log3A : vector<250x4x256xf32> to vector<250x4x256xbf16>
    %convert_element_type3A_34 = arith.extf %convert_element_type3A : vector<250x4x256xbf16> to vector<250x4x256xf32>
    %sub3A_35 = arith.subf %log3A, %convert_element_type3A_34 : vector<250x4x256xf32>
    %convert_element_type3A_36 = arith.truncf %sub3A_35 : vector<250x4x256xf32> to vector<250x4x256xbf16>
    %convert_element_type3A_37 = arith.extf %convert_element_type3A_36 : vector<250x4x256xbf16> to vector<250x4x256xf32>
    %sub3A_38 = arith.subf %sub3A_35, %convert_element_type3A_37 : vector<250x4x256xf32>
    %convert_element_type3A_39 = arith.truncf %sub3A_38 : vector<250x4x256xf32> to vector<250x4x256xbf16>
    %dot_general3A = arith.constant dense<0.000000e+00> : vector<250x4x256xf32>
    %dot_general3A_40 = tpu.matmul %convert_element_type3A, %get3A_33, %dot_general3A {dimension_numbers = #tpu.dot_dimension_numbers<[2], [1], [0, 1], [0], [0, 0, 0, 1, 1, 0], [], []>, transpose_lhs_hint = false} : vector<250x4x256xbf16>, vector<256x256xbf16>, vector<250x4x256xf32> -> vector<250x4x256xf32>
    %dot_general3A_41 = arith.constant dense<0.000000e+00> : vector<250x4x256xf32>
    %dot_general3A_42 = tpu.matmul %convert_element_type3A_36, %get3A_33, %dot_general3A_41 {dimension_numbers = #tpu.dot_dimension_numbers<[2], [1], [0, 1], [0], [0, 0, 0, 1, 1, 0], [], []>, transpose_lhs_hint = false} : vector<250x4x256xbf16>, vector<256x256xbf16>, vector<250x4x256xf32> -> vector<250x4x256xf32>
    %add3A_43 = arith.addf %dot_general3A_40, %dot_general3A_42 : vector<250x4x256xf32>
    %dot_general3A_44 = arith.constant dense<0.000000e+00> : vector<250x4x256xf32>
    %dot_general3A_45 = tpu.matmul %convert_element_type3A_39, %get3A_33, %dot_general3A_44 {dimension_numbers = #tpu.dot_dimension_numbers<[2], [1], [0, 1], [0], [0, 0, 0, 1, 1, 0], [], []>, transpose_lhs_hint = false} : vector<250x4x256xbf16>, vector<256x256xbf16>, vector<250x4x256xf32> -> vector<250x4x256xf32>
    %add3A_46 = arith.addf %add3A_43, %dot_general3A_45 : vector<250x4x256xf32>
    %swap3A = arith.constant 0 : index
    %swap3A_47 = arith.constant 0 : index
    %swap3A_48 = arith.constant 0 : index
    %swap3A_49 = vector.load %arg5[%swap3A, %swap3A_47, %swap3A_48] : memref<250x4x256xf32, #tpu.memory_space<vmem>>, vector<250x4x256xf32>
    tpu.vector_store %arg5[%swap3A, %swap3A_47, %swap3A_48], %add3A_46 {strides = array<i32>} : memref<250x4x256xf32, #tpu.memory_space<vmem>>, vector<250x4x256xf32>,
    %reduce_sum3A_50 = arith.constant dense<0.000000e+00> : vector<250x256xf32>
    %reduce_sum3A_51 = vector.multi_reduction <add>, %mul3A_30, %reduce_sum3A_50 [1] : vector<250x4x256xf32> to vector<250x256xf32>
    %log3A_52 = math.log %reduce_sum3A_51 : vector<250x256xf32>
    %reduce_sum3A_53 = arith.constant dense<0.000000e+00> : vector<256xf32>
    %reduce_sum3A_54 = vector.multi_reduction <add>, %log3A_52, %reduce_sum3A_53 [0] : vector<250x256xf32> to vector<256xf32>
    %eq3A = arith.constant 0 : i32
    %eq3A_55 = arith.cmpi eq, %arg0, %eq3A : i32
    %convert_element_type3A_56 = arith.extui %eq3A_55 : i1 to i32
    %cond3A = arith.constant 0 : i32
    %cond3A_57 = arith.cmpi ne, %convert_element_type3A_56, %cond3A : i32
    scf.if %cond3A_57 {
      %swap3A_68 = arith.constant 0 : index
      %swap3A_69 = vector.load %arg6[%swap3A_68] : memref<256xf32, #tpu.memory_space<vmem>>, vector<256xf32>
      tpu.vector_store %arg6[%swap3A_68], %reduce_sum3A_54 {strides = array<i32>} : memref<256xf32, #tpu.memory_space<vmem>>, vector<256xf32>,
    } else {
    }
    %gt3A = arith.constant 0 : i32
    %gt3A_58 = arith.cmpi sgt, %arg0, %gt3A : i32
    %lt3A = arith.constant 1 : i32
    %lt3A_59 = arith.cmpi slt, %arg0, %lt3A : i32
    %and3A = arith.andi %gt3A_58, %lt3A_59 : i1
    %convert_element_type3A_60 = arith.extui %and3A : i1 to i32
    %cond3A_61 = arith.constant 0 : i32
    %cond3A_62 = arith.cmpi ne, %convert_element_type3A_60, %cond3A_61 : i32
    scf.if %cond3A_62 {
      %get3A_68 = arith.constant 0 : index
      %get3A_69 = vector.load %arg6[%get3A_68] : memref<256xf32, #tpu.memory_space<vmem>>, vector<256xf32>
      %add3A_70 = arith.addf %get3A_69, %reduce_sum3A_54 : vector<256xf32>
      %swap3A_71 = arith.constant 0 : index
      %swap3A_72 = vector.load %arg6[%swap3A_71] : memref<256xf32, #tpu.memory_space<vmem>>, vector<256xf32>
      tpu.vector_store %arg6[%swap3A_71], %add3A_70 {strides = array<i32>} : memref<256xf32, #tpu.memory_space<vmem>>, vector<256xf32>,
    } else {
    }
    %eq3A_63 = arith.constant 1 : i32
    %eq3A_64 = arith.cmpi eq, %arg0, %eq3A_63 : i32
    %convert_element_type3A_65 = arith.extui %eq3A_64 : i1 to i32
    %cond3A_66 = arith.constant 0 : i32
    %cond3A_67 = arith.cmpi ne, %convert_element_type3A_65, %cond3A_66 : i32
    scf.if %cond3A_67 {
      %get3A_68 = arith.constant 0 : index
      %get3A_69 = vector.load %arg6[%get3A_68] : memref<256xf32, #tpu.memory_space<vmem>>, vector<256xf32>
      %add3A_70 = arith.addf %get3A_69, %reduce_sum3A_54 : vector<256xf32>
      %sub3A_71 = arith.constant 693.147156 : f32
      %sub3A_72 = vector.broadcast %sub3A_71 : f32 to vector<256xf32>
      %sub3A_73 = arith.subf %add3A_70, %sub3A_72 : vector<256xf32>
      %broadcast_in_dim3A_74 = vector.shape_cast %sub3A_73 : vector<256xf32> to vector<1x256xf32>
      %convert_element_type3A_75 = arith.truncf %broadcast_in_dim3A_74 : vector<1x256xf32> to vector<1x256xbf16>
      %convert_element_type3A_76 = arith.extf %convert_element_type3A_75 : vector<1x256xbf16> to vector<1x256xf32>
      %sub3A_77 = arith.subf %broadcast_in_dim3A_74, %convert_element_type3A_76 : vector<1x256xf32>
      %convert_element_type3A_78 = arith.truncf %sub3A_77 : vector<1x256xf32> to vector<1x256xbf16>
      %convert_element_type3A_79 = arith.extf %convert_element_type3A_78 : vector<1x256xbf16> to vector<1x256xf32>
      %sub3A_80 = arith.subf %sub3A_77, %convert_element_type3A_79 : vector<1x256xf32>
      %convert_element_type3A_81 = arith.truncf %sub3A_80 : vector<1x256xf32> to vector<1x256xbf16>
      %dot_general3A_82 = arith.constant dense<0.000000e+00> : vector<1x256xf32>
      %dot_general3A_83 = tpu.matmul %convert_element_type3A_75, %get3A_33, %dot_general3A_82 {dimension_numbers = #tpu.dot_dimension_numbers<[1], [1], [0], [0], [0, 0, 1, 0], [], []>, transpose_lhs_hint = false} : vector<1x256xbf16>, vector<256x256xbf16>, vector<1x256xf32> -> vector<1x256xf32>
      %dot_general3A_84 = arith.constant dense<0.000000e+00> : vector<1x256xf32>
      %dot_general3A_85 = tpu.matmul %convert_element_type3A_78, %get3A_33, %dot_general3A_84 {dimension_numbers = #tpu.dot_dimension_numbers<[1], [1], [0], [0], [0, 0, 1, 0], [], []>, transpose_lhs_hint = false} : vector<1x256xbf16>, vector<256x256xbf16>, vector<1x256xf32> -> vector<1x256xf32>
      %add3A_86 = arith.addf %dot_general3A_83, %dot_general3A_85 : vector<1x256xf32>
      %dot_general3A_87 = arith.constant dense<0.000000e+00> : vector<1x256xf32>
      %dot_general3A_88 = tpu.matmul %convert_element_type3A_81, %get3A_33, %dot_general3A_87 {dimension_numbers = #tpu.dot_dimension_numbers<[1], [1], [0], [0], [0, 0, 1, 0], [], []>, transpose_lhs_hint = false} : vector<1x256xbf16>, vector<256x256xbf16>, vector<1x256xf32> -> vector<1x256xf32>
      %add3A_89 = arith.addf %add3A_86, %dot_general3A_88 : vector<1x256xf32>
      %squeeze3A = vector.shape_cast %add3A_89 : vector<1x256xf32> to vector<256xf32>
      %get3A_90 = arith.constant 0 : index
      %get3A_91 = vector.load %arg4[%get3A_90] : memref<256xf32, #tpu.memory_space<vmem>>, vector<256xf32>
      %sub3A_92 = arith.subf %squeeze3A, %get3A_91 : vector<256xf32>
      %swap3A_93 = arith.constant 0 : index
      %swap3A_94 = vector.load %arg6[%swap3A_93] : memref<256xf32, #tpu.memory_space<vmem>>, vector<256xf32>
      tpu.vector_store %arg6[%swap3A_93], %sub3A_92 {strides = array<i32>} : memref<256xf32, #tpu.memory_space<vmem>>, vector<256xf32>,
    } else {
    }
    return
  }
  func.func @transform_0(%arg0: i32) -> (i32, i32, i32, i32) {
    %c0_i32 = arith.constant 0 : i32
    %c0_i32_0 = arith.constant 0 : i32
    %c0_i32_1 = arith.constant 0 : i32
    %c0_i32_2 = arith.constant 0 : i32
    return %c0_i32, %arg0, %c0_i32_0, %c0_i32_1 : i32, i32, i32, i32
  }
  func.func @transform_1(%arg0: i32) -> (i32, i32, i32, i32) {
    %c1_i32 = arith.constant 1 : i32
    %c0_i32 = arith.constant 0 : i32
    %c0_i32_0 = arith.constant 0 : i32
    %c0_i32_1 = arith.constant 0 : i32
    return %c1_i32, %arg0, %c0_i32, %c0_i32_0 : i32, i32, i32, i32
  }
  func.func @transform_2(%arg0: i32) -> (i32, i32) {
    %c0_i32 = arith.constant 0 : i32
    %c0_i32_0 = arith.constant 0 : i32
    %c0_i32_1 = arith.constant 0 : i32
    return %c0_i32, %c0_i32_0 : i32, i32
  }
  func.func @transform_3(%arg0: i32) -> i32 {
    %c0_i32 = arith.constant 0 : i32
    %c0_i32_0 = arith.constant 0 : i32
    return %c0_i32 : i32
  }
  func.func @transform_4(%arg0: i32) -> (i32, i32, i32) {
    %c0_i32 = arith.constant 0 : i32
    %c0_i32_0 = arith.constant 0 : i32
    %c0_i32_1 = arith.constant 0 : i32
    return %arg0, %c0_i32, %c0_i32_0 : i32, i32, i32
  }
  func.func @transform_5(%arg0: i32) -> i32 {
    %c0_i32 = arith.constant 0 : i32
    %c0_i32_0 = arith.constant 0 : i32
    return %c0_i32 : i32
  }
}

</mosaic_0001>

<sc_bundles>
// kernel: kernel.5.cloned.1.call-start
scs
__scs_entry_jumppad:
0x0: {  	(pc) =	sbr.rel $0x88, $3  }
0x1: {  	(tag) =	ssettag $0x0;
	lr =	simm.s32 $0x1  }
0x2: {  	[smem:$0x3F9B] =	sst lr;
	_ =	strace $0xD0000000  }
0x3: {  	_ = 	snop  }
0x4: {  	_ = 	snop  }
0x5: {  	_ = 	snop  }
0x6: {  	_ = 	snop  }
0x7: {  	_ = 	snop  }
__scs_overlays_trampoline_lowered:
0x8: {  	[smem:$0x3FAA] =	sst s0  }
0x9: {  	[smem:$0x3FAB] =	sst s1  }
0xa: {  	[smem:$0x3FAC] =	sst s2  }
0xb: {  	[smem:$0x3FAD] =	sst s3  }
0xc: {  	[smem:$0x3FAE] =	sst s4  }
0xd: {  	[smem:$0x3FAF] =	sst s5  }
0xe: {  	[smem:$0x3FB0] =	sst s6  }
0xf: {  	[smem:$0x3FB1] =	sst s7  }
0x10: {  	[smem:$0x3FB2] =	sst s8  }
0x11: {  	[smem:$0x3FB3] =	sst s9;
	s0 =	simm.s32 @!p0 $0x0  }
0x12: {  	s1 =	sld [smem:$0x3F99];
	s0 =	simm.s32 @p0 $0x1  }
0x13: {  	[smem:$0x3FB4] =	sst s0;
	s0 =	simm.s32 @!p1 $0x0  }
0x14: {  	s2 =	sld [smem:$0x3F98];
	s0 =	simm.s32 @p1 $0x1  }
0x15: {  	[smem:$0x3FB5] =	sst s0;
	s0 =	simm.s32 @!p2 $0x0  }
0x16: {  	s3 =	sld [smem:$0x3FDB];
	s0 =	simm.s32 @p2 $0x1  }
0x17: {  	s4 =	simm.s32 $0x1BF5;
	[smem:$0x3FB7] =	sst s0  }
0x18: {  	s0 =	sld [smem:$0x3F9A];
	_ =	swait.ge [sflag:s4], $0x0  }
0x19: {  	s7 =	sld [smem:$0x3F9B]  }
0x1a: {  	s8 =	sadd.s32 $0xFFFFE003, lr  }
0x1b: {  	s9 =	sadd.s32 $0xFFFFFEF7, lr;
	s5 =	simm.s32 $0xFFFFFFFF;
	p2 =	slt.u32 s8, $0xFFFFF086  }
0x1c: {  	p1 =	slt.u32 s9, $0xF7A;
	s5 =	simm.s32 @!p2 $0x0  }
0x1d: {  	s5 =	simm.s32 @p1 $0x1;
	p0 =	seq.s32 s7, s2  }
0x1e: {  	s7 =	smul.u32 @!p0 $0xF7A, s2;
	p2 =	seq.s32 @!p0 s5, $0x0  }
0x1f: {  	s9 =	smul.u32 $0xF7A, s1;
	s8 =	simm.s32 @!p0 $0x1BF5;
	p2 =	por !p2, p0  }
0x20: {  	[sflag:s8] =	ssyncset.s32 @!p0 $0xFFFFF086;
	s6 =	sadd.s32 @!p0 s3, s7;
	s7 =	simm.s32 @!p0 $0x108  }
0x21: {  	s3 =	sadd.s32 s3, s9;
	s6 =	sadd.s32 @!p0 $0x88, s6;
	s7 =	simm.s32 @p2 $0x1082  }
0x22: {  	[simem:s7], [sflag:s8] =	dma.local @!p0 [hbm:s6], $0xF7A  }
0x23: {  	s9 =	sor.u32 $0xD0000000, s2;
	s6 =	simm.s32 $0x108;
	_ =	swait.ge @!p0 [sflag:s8], $0x0  }
0x24: {  	s3 =	sadd.s32 $0x88, s3;
	s6 =	simm.s32 @!p1 $0x1082;
	[sflag:s4] =	ssyncset.s32 $0xFFFFF086  }
0x25: {  	[simem:s6], [sflag:s4] =	dma.local [hbm:s3], $0xF7A  }
0x26: {  	[smem:$0x3F9B] =	sst s1;
	(tag) =	ssettag s2;
	_ =	strace s9  }
0x27: {  	s1 =	sld [smem:$0x3FAB]  }
0x28: {  	s2 =	sld [smem:$0x3FAC]  }
0x29: {  	s4 =	sld [smem:$0x3FAE]  }
0x2a: {  	p0 =	seq.s32 s5, $0x0;
	s5 =	sld [smem:$0x3FAF]  }
0x2b: {  	s6 =	sld [smem:$0x3FB0]  }
0x2c: {  	s7 =	sld [smem:$0x3FB1]  }
0x2d: {  	s3 =	simm.s32 $0x108;
	s8 =	sld [smem:$0x3FB2]  }
0x2e: {  	s3 =	simm.s32 @!p0 $0x1082;
	s9 =	sld [smem:$0x3FB3]  }
0x2f: {  	lr =	sadd.s32 s0, s3;
	s0 =	sld [smem:$0x3FAA]  }
0x30: {  	s3 =	sld [smem:$0x3FAD]  }
0x31: {  	[smem:$0x3FB6] =	sst s10  }
0x32: {  	s10 =	sld [smem:$0x3FB4];
	_ =	sdelay $0x3  }
0x33: {  	p0 =	seq.s32 s10, $0x1;
	s10 =	sld [smem:$0x3FB6];
	_ =	sdelay $0x3  }
0x34: {  	[smem:$0x3FB6] =	sst s10  }
0x35: {  	s10 =	sld [smem:$0x3FB5];
	_ =	sdelay $0x3  }
0x36: {  	p1 =	seq.s32 s10, $0x1;
	s10 =	sld [smem:$0x3FB6];
	_ =	sdelay $0x3  }
0x37: {  	[smem:$0x3FB6] =	sst s10  }
0x38: {  	s10 =	sld [smem:$0x3FB7]  }
0x39: {  	_ = 	snop;
	(pc) =	sbr.ind lr, $3  }
0x3a: {  	_ = 	snop  }
0x3b: {  	_ = 	snop  }
0x3c: {  	p2 =	seq.s32 s10, $0x1;
	s10 =	sld [smem:$0x3FB6]  }
0x3d: {  	_ =	shalt  }
0x3e: {  	_ =	shalt  }
0x3f: {  	_ =	shalt  }
0x40: {  	_ =	shalt  }
0x41: {  	_ =	shalt  }
0x42: {  	_ =	shalt  }
0x43: {  	_ =	shalt  }
0x44: {  	_ =	shalt  }
0x45: {  	_ =	shalt  }
0x46: {  	_ =	shalt  }
0x47: {  	_ =	shalt  }
0x48: {  	_ =	shalt  }
0x49: {  	_ =	shalt  }
0x4a: {  	_ =	shalt  }
0x4b: {  	_ =	shalt  }
0x4c: {  	_ =	shalt  }
0x4d: {  	_ =	shalt  }
0x4e: {  	_ =	shalt  }
0x4f: {  	_ =	shalt  }
0x50: {  	_ =	shalt  }
0x51: {  	_ =	shalt  }
0x52: {  	_ =	shalt  }
0x53: {  	_ =	shalt  }
0x54: {  	_ =	shalt  }
0x55: {  	_ =	shalt  }
0x56: {  	_ =	shalt  }
0x57: {  	_ =	shalt  }
0x58: {  	_ =	shalt  }
0x59: {  	_ =	shalt  }
0x5a: {  	_ =	shalt  }
0x5b: {  	_ =	shalt  }
0x5c: {  	_ =	shalt  }
0x5d: {  	_ =	shalt  }
0x5e: {  	_ =	shalt  }
0x5f: {  	_ =	shalt  }
0x60: {  	_ =	shalt  }
0x61: {  	_ =	shalt  }
0x62: {  	_ =	shalt  }
0x63: {  	_ =	shalt  }
0x64: {  	_ =	shalt  }
0x65: {  	_ =	shalt  }
0x66: {  	_ =	shalt  }
0x67: {  	_ =	shalt  }
0x68: {  	_ =	shalt  }
0x69: {  	_ =	shalt  }
0x6a: {  	_ =	shalt  }
0x6b: {  	_ =	shalt  }
0x6c: {  	_ =	shalt  }
0x6d: {  	_ =	shalt  }
0x6e: {  	_ =	shalt  }
0x6f: {  	_ =	shalt  }
0x70: {  	_ =	shalt  }
0x71: {  	_ =	shalt  }
0x72: {  	_ =	shalt  }
0x73: {  	_ =	shalt  }
0x74: {  	_ =	shalt  }
0x75: {  	_ =	shalt  }
0x76: {  	_ =	shalt  }
0x77: {  	_ =	shalt  }
0x78: {  	_ =	shalt  }
0x79: {  	_ =	shalt  }
0x7a: {  	_ =	shalt  }
0x7b: {  	_ =	shalt  }
0x7c: {  	_ =	shalt  }
0x7d: {  	_ =	shalt  }
0x7e: {  	_ =	shalt  }
0x7f: {  	_ =	shalt  }
0x80: {  	_ =	shalt  }
0x81: {  	_ =	shalt  }
0x82: {  	_ =	shalt  }
0x83: {  	_ =	shalt  }
0x84: {  	_ =	shalt  }
0x85: {  	_ =	shalt  }
0x86: {  	_ =	shalt  }
0x87: {  	_ =	shalt  }
.Lfunc_end0:
.L_simem_size_0:
called_computation_lowered:
.L_overlay_start_0:
0x88: {  	s2 =	sld [smem:$0x3FD9]  }
0x89: {  	s3 =	sld [smem:$0x3FFE];
	_ =	sdelay $0x1  }
0x8a: {  	s1 =	srdreg.scid  }
0x8b: {  	s0 =	sand.u32 $0x1, s1  }
0x8c: {  	s14 =	sshll.u32 s0, $0xA;
	s2 =	sadd.s32 s3, s2  }
0x8d: {  	s2 =	sadd.s32 s2, s14  }
0x8e: {  	[smem:$0x3FC2] =	sst s2  }
0x8f: {  	_ = 	snop  }
0x90: {  	s2 =	sld [smem:$0x3FD0];
	_ =	sdelay $0x2  }
0x91: {  	s4 =	simm.s32 $0xA;
	s5 =	simm.s32 $0x10;
	s15 =	sld [smem:$0x3FC6]  }
0x92: {  	[smem:s5], [sflag:s4] =	dma.local [hbm:s2], $0x1  }
0x93: {  	_ =	swait.eq [sflag:s4], $0x1  }
0x94: {  	[sflag:s4] =	ssyncset.done $0x0  }
0x95: {  	[sflag:s4] =	ssyncadd.s32 $0xFFFFFFFF  }
0x96: {  	s16 =	sld [smem:$0x12];
	(tm) =	ssettm $0x1  }
0x97: {  	s17 =	sld [smem:$0x3FFB];
	_ =	sdelay $0x3  }
0x98: {  	_ =	strace s17  }
0x99: {  	s4 =	sld [smem:$0x3FFC];
	_ =	sdelay $0x3  }
0x9a: {  	_ =	strace s4  }
0x9b: {  	s4 =	sld [smem:$0x3FFD];
	_ =	sdelay $0x3  }
0x9c: {  	_ =	strace s4  }
0x9d: {  	_ =	strace $0x8FFFFFFF  }
0x9e: {  	s18 =	sld [smem:$0x3FDB];
	_ =	sdelay $0x1  }
0x9f: {  	s19 =	simm.s32 $_scs_section_size  }
0xa0: {  	s6 =	simm.s32 $_size__tile_overlayer_lowered;
	s7 =	simm.s32 $_tile_overlayer_lowered  }
0xa1: {  	s22 =	simm.s32 $0x1BFF;
	s21 =	sshll.u32 s7, $0x1;
	s4 =	sadd.s32 s19, s18  }
0xa2: {  	s8 =	simm.s32 $0x0;
	s20 =	sshll.u32 s6, $0x1;
	s6 =	sadd.s32 s21, s4  }
0xa3: {  	[timem:s8], [sflag:s22] =	dma.local [hbm:s6], s20  }
0xa4: {  	_ =	swait.ge [sflag:s22], s20  }
0xa5: {  	s5 =	ssub.s32 $0x0, s20;
	[sflag:s22] =	ssyncset.done $0x0  }
0xa6: {  	[sflag:s22] =	ssyncadd.s32 s5;
	_ =	sdelay $0x1  }
0xa7: {  	s23 =	simm.s32 $0x1B8B  }
0xa8: {  	_ =	swait.ge [sflag:s23], $0x1  }
0xa9: {  	[sflag:s23] =	ssyncset.done $0x0  }
0xaa: {  	s25 =	simm.s32 $0x1B8E;
	s24 =	sld [smem:$0x3FFE];
	[sflag:s23] =	ssyncadd.s32 $0xFFFFFFFF  }
0xab: {  	s26 =	simm.s32 $execute0_lowered;
	[smem:$0x3FD2] =	sst s25  }
0xac: {  	s6 =	sshll.u32 s26, $0x1;
	_ =	strace $0x80000046;
	[dreg:$0x1] =	wrdreg $0xFFFFFFFF  }
0xad: {  	s28 =	simm.s32 $_size_execute0_lowered;
	s4 =	sadd.s32 s4, s6;
	[dreg:$0x0] =	wrdreg $0x0  }
0xae: {  	s6 =	sshll.u32 s28, $0x1;
	[dreg:$0x2] =	wrdreg s4  }
0xaf: {  	[dreg:$0x3] =	wrdreg s6  }
0xb0: {  	[dreg:$0x4] =	wrdreg $0xC0  }
0xb1: {  	_ =	task [dreg:s8], $0x5FFFF  }
0xb2: {  	[dreg:$0x1] =	wrdreg $0xFFFFFFFF  }
0xb3: {  	[dreg:$0x0] =	wrdreg $0x60  }
0xb4: {  	[dreg:$0x2] =	wrdreg s24  }
0xb5: {  	[dreg:$0x3] =	wrdreg s15  }
0xb6: {  	[dreg:$0x4] =	wrdreg s16  }
0xb7: {  	[dreg:$0x5] =	wrdreg $0x9  }
0xb8: {  	_ =	task.clear_ibuf [dreg:s8], $0x6FFFF;
	_ =	strace $0x90000046  }
0xb9: {  	s29 =	simm.s32 $0x9;
	_ =	strace $0x80000048  }
0xba: {  	_ =	swait.ge [sflag:s29], $0x1  }
0xbb: {  	[sflag:s29] =	ssyncadd.s32 $0xFFFFFFFF  }
0xbc: {  	_ =	strace $0x90000048  }
0xbd: {  	_ =	sfence  }
0xbe: {  	s30 =	sld [smem:$0x0];
	_ =	sdelay $0x2  }
0xbf: {  	s31 =	sshll.u32 s1, $0xD;
	s1 =	sshrl.u32 s1, $0x2  }
0xc0: {  	s3 =	sand.u32 $0x4000, s31;
	s1 =	sadd.s32 s1, s30  }
0xc1: {  	s0 =	sor.u32 s3, s0;
	s1 =	sshll.u32 s1, $0x11  }
0xc2: {  	s0 =	sor.u32 s1, s0  }
0xc3: {  	s0 =	sadd.s32 $0x8F2B, s0  }
0xc4: {  	[sflag:s0] =	ssyncadd.remote.s32 $0x1  }
0xc5: {  	_ =	sfence.sel $0xFFFF  }
0xc6: {  	[dreg:$0x0] =	wrdreg $0xFFFFFFFF;
	(pc) =	sbr.abs _section_cstart, $3  }
0xc7: {  	[dreg:$0x1] =	wrdreg $0xFFFFFFFF  }
0xc8: {  	_ =	task.clear_ibuf [dreg:s8], $0x2FFFF;
	_ =	strace $0x9FFFFFFF  }
0xc9: {  	(tm) =	ssettm $0x7FFFFFFF  }
tec
execute0_lowered:
.L_overlay_start_1:
0x0: {  	(tag) =	ssettag $0x1  }
0x1: {  	s4 =	rddreg [dreg:$0x0]  }
0x2: {  	s2 =	rddreg [dreg:$0x1];
	s0 =	srdreg.scid  }
0x3: {  	s6 =	rddreg [dreg:$0x2];
	s1 =	stileid.u32;
	s3 =	simm.s32 $0x0  }
0x4: {  	s10 =	simm.s32 $0x8;
	s11 =	simm.s32 $0x100;
	s12 =	simm.s32 $0x500  }
0x5: {  	s13 =	simm.s32 $0x1;
	s14 =	simm.s32 $0x900;
	s5 =	sand.u32 $0x1, s0  }
0x6: {  	s0 =	rddreg [dreg:$0x3];
	s7 =	sshll.u32 s1, $0x4;
	s8 =	sshll.u32 s5, $0x3  }
0x7: {  	[smem:$0x7FF] =	sst s3;
	s5 =	ssub.s32 $0x2, s5;
	s7 =	sor.u32 s8, s7  }
0x8: {  	_ =	strace $0x80000047;
	s9 =	sshrl.u32 s5, $0x1;
	s8 =	sshrl.u32 s7, $0x3  }
0x9: {  	s9 =	ssub.s32 s5, s9;
	s7 =	sshll.u32 s7, $0x4;
	s8 =	sadd.s32 s8, s4  }
0xa: {  	s6 =	sadd.s32 s6, s7;
	s7 =	smax.u32 s9, $0x1;
	s9 =	simm.s32 $0x80  }
0xb: {  	s4 =	sadd.s32 $0x1200, s8;
	s5 =	sadd.s32 $0x1400, s8;
	s8 =	simm.s32 $0x2  }
.LBB2_1:
0xc: {  	[tilespmem:s3], [sflag:$0x2] =	stream.linear.gather [hbm4b:s4+s3], $0x8, $0x38;
	[tilespmem:$0xD00] =	vst v63  }
0xd: {  	_ =	swait.ge [sflag:s8], $0x8  }
0xe: {  	[sflag:s8] =	ssyncset.done $0x0  }
0xf: {  	[sflag:s8] =	ssyncadd.s32 $0xFFFFFFF8  }
0x10: {  	[tilespmem:s9], [sflag:$0x2] =	stream.linear.gather [hbm4b:s5+s3], $0x8, $0x38;
	[tilespmem:$0xD00] =	vst v63  }
0x11: {  	_ =	swait.ge [sflag:s8], $0x8  }
0x12: {  	[sflag:s8] =	ssyncset.done $0x0  }
0x13: {  	[sflag:s8] =	ssyncadd.s32 $0xFFFFFFF8  }
0x14: {  	[tilespmem:s11], [sflag:$0x1] =	stream.indirect.gather [hbm4b:s2+s10], $0x80, s3, s10, $0xb8;
	[tilespmem:$0xD00] =	vst v63  }
0x15: {  	_ = 	snop  }
0x16: {  	[tilespmem:s12], [sflag:$0x1] =	stream.indirect.gather [hbm4b:s2+s10], $0x80, s9, s10, $0xb8;
	[tilespmem:$0xD00] =	vst v63  }
0x17: {  	_ =	swait.ge [sflag:s13], $0x400  }
0x18: {  	[sflag:s13] =	ssyncset.done $0x0  }
0x19: {  	[sflag:s13] =	ssyncadd.s32 $0xFFFFFC00  }
0x1a: {  	_ =	swait.ge [sflag:s13], $0x400  }
0x1b: {  	[sflag:s13] =	ssyncset.done $0x0  }
0x1c: {  	[sflag:s13] =	ssyncadd.s32 $0xFFFFFC00  }
0x1d: {  	v1 =	vld [tilespmem:$0x100]  }
0x1e: {  	v3 =	vld [tilespmem:$0x500]  }
0x1f: {  	v4 =	vld [tilespmem:$0x110]  }
0x20: {  	v6 =	vld [tilespmem:$0x510]  }
0x21: {  	v8 =	vld [tilespmem:$0x120]  }
0x22: {  	v9 =	vld [tilespmem:$0x520]  }
0x23: {  	v10 =	vld [tilespmem:$0x130]  }
0x24: {  	v11 =	vld [tilespmem:$0x530]  }
0x25: {  	v12 =	vld [tilespmem:$0x140]  }
0x26: {  	v13 =	vld [tilespmem:$0x540]  }
0x27: {  	v14 =	vld [tilespmem:$0x150]  }
0x28: {  	v15 =	vld [tilespmem:$0x550]  }
0x29: {  	v16 =	vld [tilespmem:$0x160]  }
0x2a: {  	v17 =	vld [tilespmem:$0x560]  }
0x2b: {  	v18 =	vld [tilespmem:$0x170]  }
0x2c: {  	v19 =	vld [tilespmem:$0x570]  }
0x2d: {  	v20 =	vld [tilespmem:$0x180]  }
0x2e: {  	v21 =	vld [tilespmem:$0x580]  }
0x2f: {  	v22 =	vld [tilespmem:$0x190]  }
0x30: {  	v23 =	vld [tilespmem:$0x590]  }
0x31: {  	v24 =	vld [tilespmem:$0x1A0]  }
0x32: {  	v25 =	vld [tilespmem:$0x5A0]  }
0x33: {  	v26 =	vld [tilespmem:$0x1B0]  }
0x34: {  	v27 =	vld [tilespmem:$0x5B0]  }
0x35: {  	v28 =	vld [tilespmem:$0x1C0]  }
0x36: {  	v29 =	vld [tilespmem:$0x5C0]  }
0x37: {  	v30 =	vld [tilespmem:$0x1D0]  }
0x38: {  	v31 =	vld [tilespmem:$0x5D0]  }
0x39: {  	v32 =	vld [tilespmem:$0x1E0]  }
0x3a: {  	v33 =	vld [tilespmem:$0x5E0]  }
0x3b: {  	v34 =	vld [tilespmem:$0x1F0]  }
0x3c: {  	v35 =	vld [tilespmem:$0x5F0]  }
0x3d: {  	v36 =	vld [tilespmem:$0x200]  }
0x3e: {  	v37 =	vld [tilespmem:$0x600]  }
0x3f: {  	v38 =	vld [tilespmem:$0x210]  }
0x40: {  	v39 =	vld [tilespmem:$0x610]  }
0x41: {  	v40 =	vld [tilespmem:$0x220]  }
0x42: {  	v41 =	vld [tilespmem:$0x620]  }
0x43: {  	v42 =	vld [tilespmem:$0x230]  }
0x44: {  	v43 =	vld [tilespmem:$0x630]  }
0x45: {  	v44 =	vld [tilespmem:$0x240]  }
0x46: {  	v45 =	vld [tilespmem:$0x640]  }
0x47: {  	v46 =	vld [tilespmem:$0x250]  }
0x48: {  	v47 =	vld [tilespmem:$0x650]  }
0x49: {  	v48 =	vld [tilespmem:$0x260]  }
0x4a: {  	v49 =	vld [tilespmem:$0x660]  }
0x4b: {  	v50 =	vld [tilespmem:$0x270]  }
0x4c: {  	v51 =	vld [tilespmem:$0x670]  }
0x4d: {  	v52 =	vld [tilespmem:$0x280]  }
0x4e: {  	v53 =	vld [tilespmem:$0x680]  }
0x4f: {  	v54 =	vld [tilespmem:$0x290]  }
0x50: {  	v55 =	vld [tilespmem:$0x690]  }
0x51: {  	v56 =	vld [tilespmem:$0x2A0]  }
0x52: {  	v57 =	vld [tilespmem:$0x6A0]  }
0x53: {  	v58 =	vld [tilespmem:$0x2B0]  }
0x54: {  	v59 =	vld [tilespmem:$0x6B0]  }
0x55: {  	v60 =	vld [tilespmem:$0x2C0]  }
0x56: {  	v61 =	vld [tilespmem:$0x6C0]  }
0x57: {  	v62 =	vld [tilespmem:$0x2D0]  }
0x58: {  	v0 =	vld [tilespmem:$0x2F0]  }
0x59: {  	v63 =	vld [tilespmem:$0x6D0]  }
0x5a: {  	v5 =	vld [tilespmem:$0x2E0]  }
0x5b: {  	v2 =	vld [tilespmem:$0x6E0]  }
0x5c: {  	v7 =	vld [tilespmem:$0x6F0]  }
0x5d: {  	[tilespmem:$0x1FFA0] =	vst v0;
	v0 =	vld [tilespmem:$0x300]  }
0x5e: {  	v4 =	vadd.f32 v6, v4;
	v6 =	vld [tilespmem:$0x730]  }
0x5f: {  	v8 =	vadd.f32 v9, v8;
	v9 =	vadd.f32 v11, v10;
	v11 =	vld [tilespmem:$0x740]  }
0x60: {  	v17 =	vadd.f32 v17, v16;
	v16 =	vld [tilespmem:$0x370]  }
0x61: {  	v19 =	vadd.f32 v19, v18;
	v18 =	vld [tilespmem:$0x380]  }
0x62: {  	v21 =	vadd.f32 v21, v20;
	v20 =	vld [tilespmem:$0x390]  }
0x63: {  	v2 =	vadd.f32 v2, v5;
	v5 =	vld [tilespmem:$0x810]  }
0x64: {  	v22 =	vadd.f32 v23, v22;
	v10 =	vmul.f32 $5.000000000e-01, v4;
	v4 =	vld [tilespmem:$0x340]  }
0x65: {  	v24 =	vadd.f32 v25, v24;
	v23 =	vmul.f32 $5.000000000e-01, v21;
	v21 =	vld [tilespmem:$0x790]  }
0x66: {  	v26 =	vadd.f32 v27, v26;
	v8 =	vmul.f32 $5.000000000e-01, v8;
	v25 =	vmul.f32 $5.000000000e-01, v22;
	v22 =	vld [tilespmem:$0x3A0]  }
0x67: {  	v28 =	vadd.f32 v29, v28;
	v9 =	vmul.f32 $5.000000000e-01, v9;
	v27 =	vmul.f32 $5.000000000e-01, v24;
	v24 =	vld [tilespmem:$0x3B0];
	[tilespmem:$0x910] =	vst v10  }
0x68: {  	v30 =	vadd.f32 v31, v30;
	v29 =	vmul.f32 $5.000000000e-01, v26;
	v26 =	vld [tilespmem:$0x3C0];
	[tilespmem:$0x920] =	vst v8  }
0x69: {  	v40 =	vadd.f32 v41, v40;
	v31 =	vmul.f32 $5.000000000e-01, v28;
	v28 =	vld [tilespmem:$0x3D0];
	[tilespmem:$0x930] =	vst v9  }
0x6a: {  	v32 =	vadd.f32 v33, v32;
	v33 =	vmul.f32 $5.000000000e-01, v30;
	v30 =	vld [tilespmem:$0x3E0];
	[tilespmem:$0x980] =	vst v23  }
0x6b: {  	v42 =	vadd.f32 v43, v42;
	v43 =	vmul.f32 $5.000000000e-01, v40;
	v40 =	vadd.f32 v53, v52;
	v53 =	vld [tilespmem:$0x1FFA0];
	[tilespmem:$0x990] =	vst v25  }
0x6c: {  	v10 =	vadd.f32 v15, v14;
	v14 =	vld [tilespmem:$0x360];
	[tilespmem:$0x9A0] =	vst v27  }
0x6d: {  	v34 =	vadd.f32 v35, v34;
	v15 =	vld [tilespmem:$0x760];
	[tilespmem:$0x9B0] =	vst v29  }
0x6e: {  	v36 =	vadd.f32 v37, v36;
	v35 =	vmul.f32 $5.000000000e-01, v32;
	v9 =	vmul.f32 $5.000000000e-01, v19;
	v19 =	vld [tilespmem:$0x780];
	[tilespmem:$0x9C0] =	vst v31  }
0x6f: {  	v38 =	vadd.f32 v39, v38;
	v37 =	vmul.f32 $5.000000000e-01, v34;
	v23 =	vld [tilespmem:$0x7A0];
	[tilespmem:$0x9D0] =	vst v33  }
0x70: {  	v39 =	vmul.f32 $5.000000000e-01, v36;
	[tilespmem:$0x9E0] =	vst v35;
	v25 =	vld [tilespmem:$0x7B0]  }
0x71: {  	v41 =	vmul.f32 $5.000000000e-01, v38;
	[tilespmem:$0x9F0] =	vst v37;
	v27 =	vld [tilespmem:$0x7C0]  }
0x72: {  	v32 =	vadd.f32 v45, v44;
	[tilespmem:$0xA00] =	vst v39;
	v29 =	vld [tilespmem:$0x7D0]  }
0x73: {  	v34 =	vadd.f32 v47, v46;
	[tilespmem:$0xA10] =	vst v41;
	v31 =	vld [tilespmem:$0x7E0]  }
0x74: {  	v36 =	vadd.f32 v49, v48;
	[tilespmem:$0xA20] =	vst v43;
	v35 =	vmul.f32 $5.000000000e-01, v32;
	v32 =	vld [tilespmem:$0x3F0]  }
0x75: {  	v48 =	vadd.f32 v61, v60;
	v33 =	vmul.f32 $5.000000000e-01, v42;
	v37 =	vmul.f32 $5.000000000e-01, v34;
	v34 =	vld [tilespmem:$0x400];
	[tilespmem:$0x1FFB0] =	vst v0  }
0x76: {  	v39 =	vmul.f32 $5.000000000e-01, v36;
	v36 =	vld [tilespmem:$0x410];
	[tilespmem:$0x970] =	vst v9  }
0x77: {  	v38 =	vadd.f32 v51, v50;
	v51 =	vmul.f32 $5.000000000e-01, v48;
	v48 =	vld [tilespmem:$0x470];
	[tilespmem:$0xA30] =	vst v33  }
0x78: {  	v0 =	vld [tilespmem:$0x700];
	[tilespmem:$0xA40] =	vst v35  }
0x79: {  	v44 =	vadd.f32 v57, v56;
	v41 =	vmul.f32 $5.000000000e-01, v38;
	[tilespmem:$0xA50] =	vst v37;
	v33 =	vld [tilespmem:$0x7F0]  }
0x7a: {  	v43 =	vmul.f32 $5.000000000e-01, v40;
	[tilespmem:$0xA60] =	vst v39;
	v35 =	vld [tilespmem:$0x800]  }
0x7b: {  	v47 =	vmul.f32 $5.000000000e-01, v44;
	[tilespmem:$0xA70] =	vst v41;
	v9 =	vld [tilespmem:$0x420]  }
0x7c: {  	v42 =	vadd.f32 v55, v54;
	[tilespmem:$0xA80] =	vst v43;
	v55 =	vld [tilespmem:$0x1FFB0]  }
0x7d: {  	v46 =	vadd.f32 v59, v58;
	v54 =	vmul.f32 $5.000000000e-01, v2;
	[tilespmem:$0xAA0] =	vst v47;
	v37 =	vld [tilespmem:$0x430]  }
0x7e: {  	v50 =	vadd.f32 v63, v62;
	[tilespmem:$0xAC0] =	vst v51;
	v51 =	vld [tilespmem:$0x870]  }
0x7f: {  	v49 =	vmul.f32 $5.000000000e-01, v46;
	[tilespmem:$0xAE0] =	vst v54;
	v54 =	vld [tilespmem:$0x480]  }
0x80: {  	v52 =	vmul.f32 $5.000000000e-01, v50;
	[tilespmem:$0x1FFC0] =	vst v0;
	v0 =	vld [tilespmem:$0x310]  }
0x81: {  	v10 =	vmul.f32 $5.000000000e-01, v10;
	[tilespmem:$0xAB0] =	vst v49;
	v63 =	vadd.f32 v11, v4;
	v4 =	vld [tilespmem:$0x840]  }
0x82: {  	v45 =	vmul.f32 $5.000000000e-01, v42;
	[tilespmem:$0xAD0] =	vst v52;
	v7 =	vadd.f32 v7, v53;
	v11 =	vld [tilespmem:$0x850]  }
0x83: {  	[tilespmem:$0x950] =	vst v10;
	v10 =	vld [tilespmem:$0x820]  }
0x84: {  	v47 =	vadd.f32 v21, v20;
	[tilespmem:$0xA90] =	vst v45;
	v7 =	vmul.f32 $5.000000000e-01, v7;
	v56 =	vld [tilespmem:$0x1FFC0]  }
0x85: {  	v39 =	vmul.f32 $5.000000000e-01, v63;
	v40 =	vadd.f32 v15, v14;
	[tilespmem:$0x1FFD0] =	vst v0;
	v0 =	vld [tilespmem:$0x710]  }
0x86: {  	v45 =	vld [tilespmem:$0x860];
	v52 =	vmul.f32 $5.000000000e-01, v47;
	[tilespmem:$0xAF0] =	vst v7  }
0x87: {  	v44 =	vadd.f32 v19, v18;
	v63 =	vld [tilespmem:$0x890];
	[tilespmem:$0xB40] =	vst v39;
	v43 =	vmul.f32 $5.000000000e-01, v40  }
0x88: {  	v5 =	vadd.f32 v5, v36;
	v36 =	vld [tilespmem:$0x4C0];
	[tilespmem:$0xB90] =	vst v52;
	v47 =	vadd.f32 v51, v48  }
0x89: {  	v49 =	vmul.f32 $5.000000000e-01, v44;
	[tilespmem:$0xB60] =	vst v43;
	v2 =	vadd.f32 v56, v55;
	v57 =	vld [tilespmem:$0x1FFD0]  }
0x8a: {  	v50 =	vadd.f32 v23, v22;
	v52 =	vmul.f32 $5.000000000e-01, v47;
	[tilespmem:$0x1FFE0] =	vst v0;
	v0 =	vld [tilespmem:$0x320]  }
0x8b: {  	[tilespmem:$0xB80] =	vst v49;
	v59 =	vmul.f32 $5.000000000e-01, v2;
	v58 =	vld [tilespmem:$0x1FFE0]  }
0x8c: {  	v39 =	vld [tilespmem:$0x8C0];
	[tilespmem:$0xC70] =	vst v52;
	v55 =	vmul.f32 $5.000000000e-01, v50  }
0x8d: {  	v48 =	vld [tilespmem:$0x4E0];
	[tilespmem:$0xB00] =	vst v59;
	v59 =	vadd.f32 v29, v28  }
0x8e: {  	v56 =	vadd.f32 v27, v26;
	v26 =	vld [tilespmem:$0x4A0];
	[tilespmem:$0xBA0] =	vst v55;
	v28 =	vadd.f32 v35, v34;
	v35 =	vmul.f32 $5.000000000e-01, v5  }
0x8f: {  	v53 =	vadd.f32 v25, v24;
	v24 =	vmul.f32 $5.000000000e-01, v59;
	[tilespmem:$0x1FFF0] =	vst v0;
	v0 =	vadd.f32 v3, v1;
	v1 =	vld [tilespmem:$0x330]  }
0x90: {  	v25 =	vadd.f32 v33, v32;
	v32 =	vmul.f32 $5.000000000e-01, v28;
	[tilespmem:$0xC10] =	vst v35;
	v3 =	vld [tilespmem:$0x720];
	v8 =	vadd.f32 v58, v57  }
0x91: {  	[tilespmem:$0xBD0] =	vst v24;
	v60 =	vld [tilespmem:$0x1FFF0];
	v0 =	vmul.f32 $5.000000000e-01, v0  }
0x92: {  	[tilespmem:$0xC00] =	vst v32;
	v57 =	vld [tilespmem:$0x880];
	v61 =	vmul.f32 $5.000000000e-01, v8  }
0x93: {  	v29 =	vld [tilespmem:$0x8A0];
	v58 =	vmul.f32 $5.000000000e-01, v53;
	[tilespmem:$0x900] =	vst v0;
	v0 =	vadd.f32 v13, v12  }
0x94: {  	v51 =	vld [tilespmem:$0x8E0];
	v1 =	vadd.f32 v6, v1;
	[tilespmem:$0xB10] =	vst v61;
	v61 =	vmul.f32 $5.000000000e-01, v56  }
0x95: {  	[tilespmem:$0xBB0] =	vst v58;
	v12 =	vld [tilespmem:$0x350];
	v0 =	vmul.f32 $5.000000000e-01, v0  }
0x96: {  	v13 =	vld [tilespmem:$0x750];
	v2 =	vadd.f32 v3, v60;
	v1 =	vmul.f32 $5.000000000e-01, v1;
	[tilespmem:$0xBC0] =	vst v61  }
0x97: {  	v34 =	vld [tilespmem:$0x8B0];
	v50 =	vadd.f32 v57, v54;
	[tilespmem:$0x940] =	vst v0;
	v0 =	vmul.f32 $5.000000000e-01, v17  }
0x98: {  	v6 =	vld [tilespmem:$0x440];
	v56 =	vadd.f32 v29, v26;
	v62 =	vmul.f32 $5.000000000e-01, v2;
	[tilespmem:$0xB30] =	vst v1  }
0x99: {  	v3 =	vld [tilespmem:$0x830];
	v55 =	vmul.f32 $5.000000000e-01, v50;
	[tilespmem:$0x960] =	vst v0  }
0x9a: {  	v59 =	vadd.f32 v39, v36;
	v60 =	vld [tilespmem:$0x490];
	v2 =	vmul.f32 $5.000000000e-01, v56;
	[tilespmem:$0xB20] =	vst v62  }
0x9b: {  	v17 =	vld [tilespmem:$0x770];
	v38 =	vadd.f32 v13, v12;
	v62 =	vadd.f32 v31, v30;
	v30 =	vmul.f32 $5.000000000e-01, v25;
	[tilespmem:$0xC80] =	vst v55  }
0x9c: {  	v33 =	vadd.f32 v10, v9;
	v12 =	vld [tilespmem:$0x460];
	[tilespmem:$0xCA0] =	vst v2;
	v0 =	vmul.f32 $5.000000000e-01, v59  }
0x9d: {  	v8 =	vld [tilespmem:$0x450];
	v61 =	vadd.f32 v51, v48;
	v41 =	vmul.f32 $5.000000000e-01, v38;
	[tilespmem:$0xBF0] =	vst v30  }
0x9e: {  	v54 =	vld [tilespmem:$0x4F0];
	v3 =	vadd.f32 v3, v37;
	v37 =	vmul.f32 $5.000000000e-01, v33;
	[tilespmem:$0xCC0] =	vst v0  }
0x9f: {  	v31 =	vld [tilespmem:$0x4B0];
	v53 =	vadd.f32 v63, v60;
	v63 =	vmul.f32 $5.000000000e-01, v61;
	[tilespmem:$0xB50] =	vst v41  }
0xa0: {  	v57 =	vld [tilespmem:$0x8F0];
	v38 =	vadd.f32 v4, v6;
	v27 =	vmul.f32 $5.000000000e-01, v62;
	v42 =	vadd.f32 v17, v16;
	[tilespmem:$0xC20] =	vst v37  }
0xa1: {  	v40 =	vmul.f32 $5.000000000e-01, v3;
	[tilespmem:$0xCE0] =	vst v63;
	v44 =	vadd.f32 v45, v12;
	v45 =	vld [tilespmem:$0x8D0]  }
0xa2: {  	v43 =	vmul.f32 $5.000000000e-01, v38;
	[tilespmem:$0xBE0] =	vst v27;
	v46 =	vmul.f32 $5.000000000e-01, v42;
	v42 =	vld [tilespmem:$0x4D0]  }
0xa3: {  	v3 =	vmul.f32 $5.000000000e-01, v53;
	[tilespmem:$0xC30] =	vst v40  }
0xa4: {  	[tilespmem:$0xC40] =	vst v43;
	v58 =	vadd.f32 v34, v31  }
0xa5: {  	v41 =	vadd.f32 v11, v8;
	[tilespmem:$0xC90] =	vst v3;
	v49 =	vmul.f32 $5.000000000e-01, v44  }
0xa6: {  	v62 =	vadd.f32 v57, v54;
	[tilespmem:$0xB70] =	vst v46;
	v1 =	vmul.f32 $5.000000000e-01, v58  }
0xa7: {  	v46 =	vmul.f32 $5.000000000e-01, v41;
	[tilespmem:$0xC60] =	vst v49;
	v60 =	vadd.f32 v45, v42  }
0xa8: {  	[tilespmem:$0xCB0] =	vst v1;
	v1 =	vmul.f32 $5.000000000e-01, v62  }
0xa9: {  	[tilespmem:$0xC50] =	vst v46;
	v3 =	vmul.f32 $5.000000000e-01, v60  }
0xaa: {  	p0 =	sne.s32 s7, $0x1;
	[tilespmem:$0xCF0] =	vst v1  }
.Ltmp0:
0xab: {  	[tilespmem:$0xCD0] =	vst v3;
	(pc) =	sbr.rel @p0 .LBB2_1-.Ltmp0, $4  }
0xac: {  	[hbm4b:s6+s3] =	stream.linear.scatter [tilespmem:s14], [sflag:$0x2], $0x400, $0x38;
	[tilespmem:$0xD00] =	vst v63  }
0xad: {  	_ =	swait.ge [sflag:s8], $0x400  }
0xae: {  	[sflag:s8] =	ssyncset.done $0x0  }
0xaf: {  	s7 =	sadd.s32 $0xFFFFFFFF, s7;
	[sflag:s8] =	ssyncadd.s32 $0xFFFFFC00  }
0xb0: {  	_ =	sfence.sel $0x180000  }
0xb1: {  	[bflag:$0x0] =	sbarrier.arrive $0xFFFF  }
0xb2: {  	p0 =	sne.s32 s1, $0x0;
	_ =	strace $0x90000047  }
0xb3: {  	s0 =	sadd.s32 @!p0 $0x100000, s0;
	[bflag:$0x2] =	sbarrier.arrive $0xFFFF  }
0xb4: {  	[sflag:s0] =	ssyncadd.tile.s32 @!p0 $0x1;
	_ =	shalt  }
.Lfunc_end2:
_tile_overlayer_lowered:
.L_overlay_start_2:
0xb5: {  	(tag) =	ssettag $0x2  }
0xb6: {  	s0 =	rddreg [dreg:$0x0];
	s2 =	stileid.u32  }
0xb7: {  	s1 =	rddreg [dreg:$0x1];
	p0 =	sne.s32 s2, $0x0  }
0xb8: {  	s3 =	rddreg [dreg:$0x2];
	[bflag:$0x3] =	sbarrier.arrive $0xFFFF;
	s2 =	simm.s32 @!p0 $0x1C02  }
0xb9: {  	[timem:s3], [sflag:s2] =	dma.local @!p0 [hbm:s0], s1  }
0xba: {  	s0 =	simm.s32 @!p0 $0x2  }
0xbb: {  	_ =	swait.ge @!p0 [sflag:s0], s1  }
0xbc: {  	s1 =	ssub.s32 @!p0 $0x0, s1;
	[sflag:s0] =	ssyncset.done @!p0 $0x0  }
0xbd: {  	[sflag:s0] =	ssyncadd.s32 @!p0 s1  }
0xbe: {  	[bflag:$0x3] =	sbarrier.arrive $0xFFFF  }
0xbf: {  	_ =	shalt  }

</sc_bundles>
